<compile_context>
chip_gen: v7x
topology: tpu7x:2x2x1
jax: 0.10.2.dev20260603
libtpu: 0.0.44.dev20260713+nightly
codegen_flags: <defaults>
</compile_context>

<pallas_src>
import functools

import jax
import jax.numpy as jnp
from jax import lax
from jax.experimental import pallas as pl
from jax.experimental.pallas import tpu as pltpu
from jax.experimental.pallas import tpu_sc as plsc

NC = 2
NS = 16
NW = NC * NS
LANES = 16
CHUNKS = (104, 96)
NBUF = 4
CW = 8192


def _compact_table(table, Y, D):
    nblk = (Y + 2 * CW - 1) // (2 * CW)
    bmax = (Y - CW) // CW

    def body(a_ref, b_ref, o_ref):
        row = lax.broadcasted_iota(jnp.int32, (2 * D, 2 * D), 0)
        col = lax.broadcasted_iota(jnp.int32, (2 * D, 2 * D), 1)
        eye = jnp.where(row == col, 1.0, 0.0).astype(jnp.float32)
        dn = (((0,), (0,)), ((), ()))
        c = jnp.concatenate([a_ref[...], b_ref[...]], axis=0)
        o_ref[...] = lax.dot_general(
            c, eye, dn, preferred_element_type=jnp.float32)

    tabT = table.T
    packed = pl.pallas_call(
        body,
        grid=(nblk,),
        in_specs=[pl.BlockSpec((D, CW), lambda i: (0, 2 * i)),
                  pl.BlockSpec((D, CW), lambda i: (0, jnp.minimum(2 * i + 1, bmax)))],
        out_specs=pl.BlockSpec((CW, 2 * D), lambda i: (i, 0)),
        out_shape=jax.ShapeDtypeStruct((nblk * CW, 2 * D), jnp.float32),
    )(tabT, tabT)
    return packed.reshape(2 * nblk * CW, D)


def _bag_sum(x2, table, B, L, D):
    rows_per_w = B // NW
    mesh = plsc.VectorSubcoreMesh(core_axis_name="c", subcore_axis_name="s")

    @functools.partial(
        pl.kernel,
        out_type=jax.ShapeDtypeStruct((B, D), jnp.float32),
        mesh=mesh,
        compiler_params=pltpu.CompilerParams(use_tc_tiling_on_sc=False),
        scratch_types=[
            pltpu.VMEM((rows_per_w, L), jnp.int32),
        ] + [pltpu.VMEM((L, D), jnp.float32)] * NBUF + [
            pltpu.VMEM((rows_per_w, D), jnp.float32),
        ] + [pltpu.SemaphoreType.DMA] * NBUF,
    )
    def k(x_hbm, tab_hbm, out_hbm, idx_v, *rest):
        bufs = rest[:NBUF]
        out_v = rest[NBUF]
        sems = rest[NBUF + 1:]
        wid = lax.axis_index("c") * NS + lax.axis_index("s")
        pltpu.sync_copy(x_hbm.at[pl.ds(wid * rows_per_w, rows_per_w)], idx_v)

        def start(r, buf, sem):
            off = 0
            for c in CHUNKS:
                pltpu.async_copy(
                    tab_hbm.at[idx_v.at[r, pl.ds(off, c)]],
                    buf.at[pl.ds(off, c)],
                    sem,
                )
                off += c

        def wait(buf, sem):
            off = 0
            for c in CHUNKS:
                pltpu.make_async_copy(
                    tab_hbm.at[idx_v.at[0, pl.ds(off, c)]],
                    buf.at[pl.ds(off, c)],
                    sem,
                ).wait()
                off += c

        def accum(buf, r):
            zero = jnp.zeros((LANES,), jnp.float32)

            def body(j, accs):
                out = list(accs)
                for u in range(4):
                    jj = j * 4 + u
                    for kk in range(D // LANES):
                        out[kk] = out[kk] + buf[jj, pl.ds(kk * LANES, LANES)]
                return tuple(out)

            accs = lax.fori_loop(0, L // 4, body, (zero,) * (D // LANES))
            for kk in range(D // LANES):
                out_v[r, pl.ds(kk * LANES, LANES)] = accs[kk]

        ahead = NBUF - 1
        for p in range(ahead):
            start(p, bufs[p], sems[p])

        main = (rows_per_w // NBUF) * NBUF

        def outer(i, carry):
            r0 = i * NBUF
            for u in range(NBUF):
                r = r0 + u

                @pl.when(r + ahead < rows_per_w)
                def _():
                    start(r + ahead, bufs[(u + ahead) % NBUF],
                          sems[(u + ahead) % NBUF])

                wait(bufs[u], sems[u])
                accum(bufs[u], r)
            return carry

        lax.fori_loop(0, main // NBUF, outer, 0)
        for r in range(main, rows_per_w):
            wait(bufs[r % NBUF], sems[r % NBUF])
            accum(bufs[r % NBUF], r)
        pltpu.sync_copy(out_v, out_hbm.at[pl.ds(wid * rows_per_w, rows_per_w)])

    return k(x2, table)


def _mlp(s, W1t, b1, W2t, b2, B, D, OUT):
    BLK = 512

    def body(s_ref, w1_ref, b1_ref, w2_ref, b2_ref, o_ref):
        h = jnp.dot(s_ref[...], w1_ref[...], preferred_element_type=jnp.float32)
        h = jnp.maximum(h + b1_ref[...], 0.0)
        o = jnp.dot(h, w2_ref[...], preferred_element_type=jnp.float32)
        o_ref[...] = o + b2_ref[...]

    return pl.pallas_call(
        body,
        grid=(B // BLK,),
        in_specs=[
            pl.BlockSpec((BLK, D), lambda i: (i, 0)),
            pl.BlockSpec((D, D), lambda i: (0, 0)),
            pl.BlockSpec((1, D), lambda i: (0, 0)),
            pl.BlockSpec((D, OUT), lambda i: (0, 0)),
            pl.BlockSpec((1, OUT), lambda i: (0, 0)),
        ],
        out_specs=pl.BlockSpec((BLK, OUT), lambda i: (i, 0)),
        out_shape=jax.ShapeDtypeStruct((B, OUT), jnp.float32),
    )(s, W1t, b1, W2t, b2)


def kernel(x, table, W1, b1, W2, b2):
    B, L, _ = x.shape
    Y, D = table.shape
    OUT = W2.shape[0]
    tab_lin = _compact_table(table, Y, D)
    r = x.reshape(B, L)
    x2 = (r & (-2 * CW)) + ((r & (CW - 1)) << 1) + ((r >> CW.bit_length() - 1) & 1)
    s = _bag_sum(x2, tab_lin, B, L, D)
    return _mlp(s, W1.T, b1.reshape(1, D), W2.T, b2.reshape(1, OUT), B, D, OUT)

# --- scband reference (transcript-rebuilt; emitter-appended) ---
"""Pipeline reference for scband-codes-mlp-3100966387913 (READ-ONLY COPY).

The authoritative reference and input builder live on the scoring server;
editing this copy changes nothing except your own understanding.
"""

import jax, jax.numpy as jnp
import numpy as np

Y = 1000000
D = 64  # CODE_EMBEDDING_SIZE
MLP_OUT = 128
B = 4096
L = 200


def setup_inputs(seed: int = 0) -> dict:
    key = jax.random.key(seed)
    k1, k2, k3, k4, k5, k6 = jax.random.split(key, 6)
    x = jax.random.randint(k1, (B, L, 1), 0, Y, dtype=jnp.int32)
    # xavier_uniform for embedding table: a = sqrt(3) * sqrt(2/(fan_in+fan_out))
    a_emb = float(np.sqrt(3.0) * np.sqrt(2.0 / (Y + D)))
    table = jax.random.uniform(k2, (Y, D), minval=-a_emb, maxval=a_emb, dtype=jnp.float32)
    # torch nn.Linear default init: U(-1/sqrt(fan_in), 1/sqrt(fan_in))
    lim1 = float(1.0 / np.sqrt(D))
    W1 = jax.random.uniform(k3, (D, D), minval=-lim1, maxval=lim1, dtype=jnp.float32)
    b1 = jax.random.uniform(k4, (D,), minval=-lim1, maxval=lim1, dtype=jnp.float32)
    lim2 = float(1.0 / np.sqrt(D))
    W2 = jax.random.uniform(k5, (MLP_OUT, D), minval=-lim2, maxval=lim2, dtype=jnp.float32)
    b2 = jax.random.uniform(k6, (MLP_OUT,), minval=-lim2, maxval=lim2, dtype=jnp.float32)
    return {"x": x, "table": table, "W1": W1, "b1": b1, "W2": W2, "b2": b2}


def reference(x, table, W1, b1, W2, b2):
    # embedding lookup: [B, L, 1] -> [B, L, 1, D]
    emb = jnp.take(table, x, axis=0)
    # sum over bag dimension (dim=1): [B, 1, D]
    s = jnp.sum(emb, axis=1)
    # transpose(1, 2): [B, D, 1]
    s = jnp.transpose(s, (0, 2, 1))
    # squeeze(dim=2): [B, D]
    s = jnp.squeeze(s, axis=2)
    h = jax.nn.relu(s @ W1.T + b1)
    out = h @ W2.T + b2
    return out

if __name__ == "__main__":
    import jax
    _d = setup_inputs()
    print(jax.jit(kernel)(*tuple(_d.values())))

</pallas_src>

<mosaic_0001>
#map = affine_map<(d0, d1) -> (0, 0)>
module attributes {stable_mosaic.version = 14 : i64} {
  func.func @k(%arg0: i32, %arg1: i32, %arg2: memref<4096x200xi32, #tpu.memory_space<hbm>>, %arg3: memref<1015808x64xf32, #tpu.memory_space<hbm>>, %arg4: memref<4096x64xf32, #tpu.memory_space<hbm>>, %arg5: memref<128x200xi32, #tpu.memory_space<vmem>>, %arg6: memref<200x64xf32, #tpu.memory_space<vmem>>, %arg7: memref<200x64xf32, #tpu.memory_space<vmem>>, %arg8: memref<200x64xf32, #tpu.memory_space<vmem>>, %arg9: memref<200x64xf32, #tpu.memory_space<vmem>>, %arg10: memref<128x64xf32, #tpu.memory_space<vmem>>, %arg11: memref<!tpu.dma_semaphore, #tpu.memory_space<semaphore_mem>>, %arg12: memref<!tpu.dma_semaphore, #tpu.memory_space<semaphore_mem>>, %arg13: memref<!tpu.dma_semaphore, #tpu.memory_space<semaphore_mem>>, %arg14: memref<!tpu.dma_semaphore, #tpu.memory_space<semaphore_mem>>) attributes {dimension_semantics = [#tpu.dimension_semantics<core_parallel>, #tpu.dimension_semantics<subcore_parallel>], iteration_bounds = array<i64: 2, 16>, scalar_prefetch = 0 : i64, scratch_operands = 10 : i64, tpu.core_type = #tpu.core_type<sc_vector_subcore>, window_params = [{transform_indices = #map}, {transform_indices = #map}, {transform_indices = #map}]} {
    %mul3A = arith.constant 16 : i32
    %mul3A_0 = arith.muli %arg0, %mul3A : i32
    %add3A = arith.addi %mul3A_0, %arg1 : i32
    %mul3A_1 = arith.constant 128 : i32
    %mul3A_2 = arith.muli %add3A, %mul3A_1 : i32
    "tpu.region"() ({
      %run_scoped3A = tpu.sem_alloc : memref<!tpu.dma_semaphore, #tpu.memory_space<semaphore_mem>>
      %dma_start3A_69 = arith.constant 0 : i32
      %dma_start3A_70 = tpu.memref_slice %arg2[%mul3A_2, %dma_start3A_69] : memref<4096x200xi32, #tpu.memory_space<hbm>> -> memref<128x200xi32, #tpu.memory_space<hbm>>
      %dma_start3A_71 = arith.constant 0 : i32
      %dma_start3A_72 = tpu.memref_slice %arg2[%mul3A_2, %dma_start3A_71] : memref<4096x200xi32, #tpu.memory_space<hbm>> -> memref<128x200xi32, #tpu.memory_space<hbm>>
      tpu.enqueue_dma source(%dma_start3A_72 : memref<128x200xi32, #tpu.memory_space<hbm>>) target(%arg5 : memref<128x200xi32, #tpu.memory_space<vmem>>) target_semaphore(%run_scoped3A : memref<!tpu.dma_semaphore, #tpu.memory_space<semaphore_mem>>)
      %dma_wait3A = arith.constant 0 : i32
      %dma_wait3A_73 = tpu.memref_slice %arg2[%mul3A_2, %dma_wait3A] : memref<4096x200xi32, #tpu.memory_space<hbm>> -> memref<128x200xi32, #tpu.memory_space<hbm>>
      %dma_wait3A_74 = arith.constant 0 : i32
      %dma_wait3A_75 = tpu.memref_slice %arg2[%mul3A_2, %dma_wait3A_74] : memref<4096x200xi32, #tpu.memory_space<hbm>> -> memref<128x200xi32, #tpu.memory_space<hbm>>
      tpu.wait_dma2 semaphore(%run_scoped3A : memref<!tpu.dma_semaphore, #tpu.memory_space<semaphore_mem>>) src(%dma_wait3A_75 : memref<128x200xi32, #tpu.memory_space<hbm>>) dst(%arg5 : memref<128x200xi32, #tpu.memory_space<vmem>>)
      tpu.yield
    }) : () -> ()
    %dma_start3A = arith.constant 0 : i32
    %dma_start3A_3 = arith.constant 0 : i32
    %dma_start3A_4 = arith.constant 0 : i32
    %dma_start3A_5 = tpu.memref_slice %arg6[%dma_start3A_3, %dma_start3A_4] : memref<200x64xf32, #tpu.memory_space<vmem>> -> memref<104x64xf32, #tpu.memory_space<vmem>>
    %dma_start3A_6 = arith.constant 0 : i32
    %dma_start3A_7 = tpu.memref_slice %arg5[%dma_start3A, %dma_start3A_6] : memref<128x200xi32, #tpu.memory_space<vmem>> -> memref<1x104xi32, #tpu.memory_space<vmem>>
    %dma_start3A_8 = tpu.memref_squeeze %dma_start3A_7 : memref<1x104xi32, #tpu.memory_space<vmem>> -> memref<104xi32, #tpu.memory_space<vmem>>
    %dma_start3A_9 = arith.constant 0 : i32
    %dma_start3A_10 = arith.constant 0 : i32
    %dma_start3A_11 = tpu.memref_slice %arg3[%dma_start3A_9, %dma_start3A_10] : memref<1015808x64xf32, #tpu.memory_space<hbm>> -> memref<1015808x64xf32, #tpu.memory_space<hbm>>
    tpu.enqueue_indirect_dma source(%dma_start3A_11 : memref<1015808x64xf32, #tpu.memory_space<hbm>>) target(%dma_start3A_5 : memref<104x64xf32, #tpu.memory_space<vmem>>) offsets(%dma_start3A_8 : memref<104xi32, #tpu.memory_space<vmem>>) semaphore(%arg11 : memref<!tpu.dma_semaphore, #tpu.memory_space<semaphore_mem>>)
    %dma_start3A_12 = arith.constant 0 : i32
    %dma_start3A_13 = arith.constant 104 : i32
    %dma_start3A_14 = arith.constant 0 : i32
    %dma_start3A_15 = tpu.memref_slice %arg6[%dma_start3A_13, %dma_start3A_14] : memref<200x64xf32, #tpu.memory_space<vmem>> -> memref<96x64xf32, #tpu.memory_space<vmem>>
    %dma_start3A_16 = arith.constant 104 : i32
    %dma_start3A_17 = tpu.memref_slice %arg5[%dma_start3A_12, %dma_start3A_16] : memref<128x200xi32, #tpu.memory_space<vmem>> -> memref<1x96xi32, #tpu.memory_space<vmem>>
    %dma_start3A_18 = tpu.memref_squeeze %dma_start3A_17 : memref<1x96xi32, #tpu.memory_space<vmem>> -> memref<96xi32, #tpu.memory_space<vmem>>
    %dma_start3A_19 = arith.constant 0 : i32
    %dma_start3A_20 = arith.constant 0 : i32
    %dma_start3A_21 = tpu.memref_slice %arg3[%dma_start3A_19, %dma_start3A_20] : memref<1015808x64xf32, #tpu.memory_space<hbm>> -> memref<1015808x64xf32, #tpu.memory_space<hbm>>
    tpu.enqueue_indirect_dma source(%dma_start3A_21 : memref<1015808x64xf32, #tpu.memory_space<hbm>>) target(%dma_start3A_15 : memref<96x64xf32, #tpu.memory_space<vmem>>) offsets(%dma_start3A_18 : memref<96xi32, #tpu.memory_space<vmem>>) semaphore(%arg11 : memref<!tpu.dma_semaphore, #tpu.memory_space<semaphore_mem>>)
    %dma_start3A_22 = arith.constant 1 : i32
    %dma_start3A_23 = arith.constant 0 : i32
    %dma_start3A_24 = arith.constant 0 : i32
    %dma_start3A_25 = tpu.memref_slice %arg7[%dma_start3A_23, %dma_start3A_24] : memref<200x64xf32, #tpu.memory_space<vmem>> -> memref<104x64xf32, #tpu.memory_space<vmem>>
    %dma_start3A_26 = arith.constant 0 : i32
    %dma_start3A_27 = tpu.memref_slice %arg5[%dma_start3A_22, %dma_start3A_26] : memref<128x200xi32, #tpu.memory_space<vmem>> -> memref<1x104xi32, #tpu.memory_space<vmem>>
    %dma_start3A_28 = tpu.memref_squeeze %dma_start3A_27 : memref<1x104xi32, #tpu.memory_space<vmem>> -> memref<104xi32, #tpu.memory_space<vmem>>
    %dma_start3A_29 = arith.constant 0 : i32
    %dma_start3A_30 = arith.constant 0 : i32
    %dma_start3A_31 = tpu.memref_slice %arg3[%dma_start3A_29, %dma_start3A_30] : memref<1015808x64xf32, #tpu.memory_space<hbm>> -> memref<1015808x64xf32, #tpu.memory_space<hbm>>
    tpu.enqueue_indirect_dma source(%dma_start3A_31 : memref<1015808x64xf32, #tpu.memory_space<hbm>>) target(%dma_start3A_25 : memref<104x64xf32, #tpu.memory_space<vmem>>) offsets(%dma_start3A_28 : memref<104xi32, #tpu.memory_space<vmem>>) semaphore(%arg12 : memref<!tpu.dma_semaphore, #tpu.memory_space<semaphore_mem>>)
    %dma_start3A_32 = arith.constant 1 : i32
    %dma_start3A_33 = arith.constant 104 : i32
    %dma_start3A_34 = arith.constant 0 : i32
    %dma_start3A_35 = tpu.memref_slice %arg7[%dma_start3A_33, %dma_start3A_34] : memref<200x64xf32, #tpu.memory_space<vmem>> -> memref<96x64xf32, #tpu.memory_space<vmem>>
    %dma_start3A_36 = arith.constant 104 : i32
    %dma_start3A_37 = tpu.memref_slice %arg5[%dma_start3A_32, %dma_start3A_36] : memref<128x200xi32, #tpu.memory_space<vmem>> -> memref<1x96xi32, #tpu.memory_space<vmem>>
    %dma_start3A_38 = tpu.memref_squeeze %dma_start3A_37 : memref<1x96xi32, #tpu.memory_space<vmem>> -> memref<96xi32, #tpu.memory_space<vmem>>
    %dma_start3A_39 = arith.constant 0 : i32
    %dma_start3A_40 = arith.constant 0 : i32
    %dma_start3A_41 = tpu.memref_slice %arg3[%dma_start3A_39, %dma_start3A_40] : memref<1015808x64xf32, #tpu.memory_space<hbm>> -> memref<1015808x64xf32, #tpu.memory_space<hbm>>
    tpu.enqueue_indirect_dma source(%dma_start3A_41 : memref<1015808x64xf32, #tpu.memory_space<hbm>>) target(%dma_start3A_35 : memref<96x64xf32, #tpu.memory_space<vmem>>) offsets(%dma_start3A_38 : memref<96xi32, #tpu.memory_space<vmem>>) semaphore(%arg12 : memref<!tpu.dma_semaphore, #tpu.memory_space<semaphore_mem>>)
    %dma_start3A_42 = arith.constant 2 : i32
    %dma_start3A_43 = arith.constant 0 : i32
    %dma_start3A_44 = arith.constant 0 : i32
    %dma_start3A_45 = tpu.memref_slice %arg8[%dma_start3A_43, %dma_start3A_44] : memref<200x64xf32, #tpu.memory_space<vmem>> -> memref<104x64xf32, #tpu.memory_space<vmem>>
    %dma_start3A_46 = arith.constant 0 : i32
    %dma_start3A_47 = tpu.memref_slice %arg5[%dma_start3A_42, %dma_start3A_46] : memref<128x200xi32, #tpu.memory_space<vmem>> -> memref<1x104xi32, #tpu.memory_space<vmem>>
    %dma_start3A_48 = tpu.memref_squeeze %dma_start3A_47 : memref<1x104xi32, #tpu.memory_space<vmem>> -> memref<104xi32, #tpu.memory_space<vmem>>
    %dma_start3A_49 = arith.constant 0 : i32
    %dma_start3A_50 = arith.constant 0 : i32
    %dma_start3A_51 = tpu.memref_slice %arg3[%dma_start3A_49, %dma_start3A_50] : memref<1015808x64xf32, #tpu.memory_space<hbm>> -> memref<1015808x64xf32, #tpu.memory_space<hbm>>
    tpu.enqueue_indirect_dma source(%dma_start3A_51 : memref<1015808x64xf32, #tpu.memory_space<hbm>>) target(%dma_start3A_45 : memref<104x64xf32, #tpu.memory_space<vmem>>) offsets(%dma_start3A_48 : memref<104xi32, #tpu.memory_space<vmem>>) semaphore(%arg13 : memref<!tpu.dma_semaphore, #tpu.memory_space<semaphore_mem>>)
    %dma_start3A_52 = arith.constant 2 : i32
    %dma_start3A_53 = arith.constant 104 : i32
    %dma_start3A_54 = arith.constant 0 : i32
    %dma_start3A_55 = tpu.memref_slice %arg8[%dma_start3A_53, %dma_start3A_54] : memref<200x64xf32, #tpu.memory_space<vmem>> -> memref<96x64xf32, #tpu.memory_space<vmem>>
    %dma_start3A_56 = arith.constant 104 : i32
    %dma_start3A_57 = tpu.memref_slice %arg5[%dma_start3A_52, %dma_start3A_56] : memref<128x200xi32, #tpu.memory_space<vmem>> -> memref<1x96xi32, #tpu.memory_space<vmem>>
    %dma_start3A_58 = tpu.memref_squeeze %dma_start3A_57 : memref<1x96xi32, #tpu.memory_space<vmem>> -> memref<96xi32, #tpu.memory_space<vmem>>
    %dma_start3A_59 = arith.constant 0 : i32
    %dma_start3A_60 = arith.constant 0 : i32
    %dma_start3A_61 = tpu.memref_slice %arg3[%dma_start3A_59, %dma_start3A_60] : memref<1015808x64xf32, #tpu.memory_space<hbm>> -> memref<1015808x64xf32, #tpu.memory_space<hbm>>
    tpu.enqueue_indirect_dma source(%dma_start3A_61 : memref<1015808x64xf32, #tpu.memory_space<hbm>>) target(%dma_start3A_55 : memref<96x64xf32, #tpu.memory_space<vmem>>) offsets(%dma_start3A_58 : memref<96xi32, #tpu.memory_space<vmem>>) semaphore(%arg13 : memref<!tpu.dma_semaphore, #tpu.memory_space<semaphore_mem>>)
    %scan3A = arith.constant 0 : i32
    %scan3A_62 = arith.constant 0 : i32
    %scan3A_63 = arith.constant 32 : i32
    %scan3A_64 = arith.addi %scan3A_62, %scan3A_63 : i32
    %scan3A_65 = arith.constant 1 : i32
    scf.for %scan3A_69 = %scan3A_62 to %scan3A_64 step %scan3A_65  : i32 {
      %mul3A_70 = arith.constant 4 : i32
      %mul3A_71 = arith.muli %scan3A_69, %mul3A_70 : i32
      %add3A_72 = arith.constant 0 : i32
      %add3A_73 = arith.addi %mul3A_71, %add3A_72 : i32
      %add3A_74 = arith.constant 3 : i32
      %add3A_75 = arith.addi %add3A_73, %add3A_74 : i32
      %lt3A = arith.constant 128 : i32
      %lt3A_76 = arith.cmpi slt, %add3A_75, %lt3A : i32
      %convert_element_type3A = arith.extui %lt3A_76 : i1 to i32
      %cond3A = arith.constant 0 : i32
      %cond3A_77 = arith.cmpi ne, %convert_element_type3A, %cond3A : i32
      scf.if %cond3A_77 {
        %add3A_294 = arith.constant 3 : i32
        %add3A_295 = arith.addi %add3A_73, %add3A_294 : i32
        %dma_start3A_296 = arith.constant 0 : i32
        %dma_start3A_297 = arith.constant 0 : i32
        %dma_start3A_298 = tpu.memref_slice %arg9[%dma_start3A_296, %dma_start3A_297] : memref<200x64xf32, #tpu.memory_space<vmem>> -> memref<104x64xf32, #tpu.memory_space<vmem>>
        %dma_start3A_299 = arith.constant 0 : i32
        %dma_start3A_300 = tpu.memref_slice %arg5[%add3A_295, %dma_start3A_299] : memref<128x200xi32, #tpu.memory_space<vmem>> -> memref<1x104xi32, #tpu.memory_space<vmem>>
        %dma_start3A_301 = tpu.memref_squeeze %dma_start3A_300 : memref<1x104xi32, #tpu.memory_space<vmem>> -> memref<104xi32, #tpu.memory_space<vmem>>
        %dma_start3A_302 = arith.constant 0 : i32
        %dma_start3A_303 = arith.constant 0 : i32
        %dma_start3A_304 = tpu.memref_slice %arg3[%dma_start3A_302, %dma_start3A_303] : memref<1015808x64xf32, #tpu.memory_space<hbm>> -> memref<1015808x64xf32, #tpu.memory_space<hbm>>
        tpu.enqueue_indirect_dma source(%dma_start3A_304 : memref<1015808x64xf32, #tpu.memory_space<hbm>>) target(%dma_start3A_298 : memref<104x64xf32, #tpu.memory_space<vmem>>) offsets(%dma_start3A_301 : memref<104xi32, #tpu.memory_space<vmem>>) semaphore(%arg14 : memref<!tpu.dma_semaphore, #tpu.memory_space<semaphore_mem>>)
        %dma_start3A_305 = arith.constant 104 : i32
        %dma_start3A_306 = arith.constant 0 : i32
        %dma_start3A_307 = tpu.memref_slice %arg9[%dma_start3A_305, %dma_start3A_306] : memref<200x64xf32, #tpu.memory_space<vmem>> -> memref<96x64xf32, #tpu.memory_space<vmem>>
        %dma_start3A_308 = arith.constant 104 : i32
        %dma_start3A_309 = tpu.memref_slice %arg5[%add3A_295, %dma_start3A_308] : memref<128x200xi32, #tpu.memory_space<vmem>> -> memref<1x96xi32, #tpu.memory_space<vmem>>
        %dma_start3A_310 = tpu.memref_squeeze %dma_start3A_309 : memref<1x96xi32, #tpu.memory_space<vmem>> -> memref<96xi32, #tpu.memory_space<vmem>>
        %dma_start3A_311 = arith.constant 0 : i32
        %dma_start3A_312 = arith.constant 0 : i32
        %dma_start3A_313 = tpu.memref_slice %arg3[%dma_start3A_311, %dma_start3A_312] : memref<1015808x64xf32, #tpu.memory_space<hbm>> -> memref<1015808x64xf32, #tpu.memory_space<hbm>>
        tpu.enqueue_indirect_dma source(%dma_start3A_313 : memref<1015808x64xf32, #tpu.memory_space<hbm>>) target(%dma_start3A_307 : memref<96x64xf32, #tpu.memory_space<vmem>>) offsets(%dma_start3A_310 : memref<96xi32, #tpu.memory_space<vmem>>) semaphore(%arg14 : memref<!tpu.dma_semaphore, #tpu.memory_space<semaphore_mem>>)
      } else {
      }
      %dma_wait3A = arith.constant 0 : i32
      %dma_wait3A_78 = arith.constant 0 : i32
      %dma_wait3A_79 = arith.constant 0 : i32
      %dma_wait3A_80 = tpu.memref_slice %arg6[%dma_wait3A_78, %dma_wait3A_79] : memref<200x64xf32, #tpu.memory_space<vmem>> -> memref<104x64xf32, #tpu.memory_space<vmem>>
      %dma_wait3A_81 = arith.constant 0 : i32
      %dma_wait3A_82 = tpu.memref_slice %arg5[%dma_wait3A, %dma_wait3A_81] : memref<128x200xi32, #tpu.memory_space<vmem>> -> memref<1x104xi32, #tpu.memory_space<vmem>>
      %dma_wait3A_83 = tpu.memref_squeeze %dma_wait3A_82 : memref<1x104xi32, #tpu.memory_space<vmem>> -> memref<104xi32, #tpu.memory_space<vmem>>
      %dma_wait3A_84 = arith.constant 0 : i32
      %dma_wait3A_85 = arith.constant 0 : i32
      %dma_wait3A_86 = tpu.memref_slice %arg3[%dma_wait3A_84, %dma_wait3A_85] : memref<1015808x64xf32, #tpu.memory_space<hbm>> -> memref<1015808x64xf32, #tpu.memory_space<hbm>>
      tpu.wait_indirect_dma semaphore(%arg11 : memref<!tpu.dma_semaphore, #tpu.memory_space<semaphore_mem>>) src(%dma_wait3A_86 : memref<1015808x64xf32, #tpu.memory_space<hbm>>) dst(%dma_wait3A_80 : memref<104x64xf32, #tpu.memory_space<vmem>>)
      %dma_wait3A_87 = arith.constant 0 : i32
      %dma_wait3A_88 = arith.constant 104 : i32
      %dma_wait3A_89 = arith.constant 0 : i32
      %dma_wait3A_90 = tpu.memref_slice %arg6[%dma_wait3A_88, %dma_wait3A_89] : memref<200x64xf32, #tpu.memory_space<vmem>> -> memref<96x64xf32, #tpu.memory_space<vmem>>
      %dma_wait3A_91 = arith.constant 104 : i32
      %dma_wait3A_92 = tpu.memref_slice %arg5[%dma_wait3A_87, %dma_wait3A_91] : memref<128x200xi32, #tpu.memory_space<vmem>> -> memref<1x96xi32, #tpu.memory_space<vmem>>
      %dma_wait3A_93 = tpu.memref_squeeze %dma_wait3A_92 : memref<1x96xi32, #tpu.memory_space<vmem>> -> memref<96xi32, #tpu.memory_space<vmem>>
      %dma_wait3A_94 = arith.constant 0 : i32
      %dma_wait3A_95 = arith.constant 0 : i32
      %dma_wait3A_96 = tpu.memref_slice %arg3[%dma_wait3A_94, %dma_wait3A_95] : memref<1015808x64xf32, #tpu.memory_space<hbm>> -> memref<1015808x64xf32, #tpu.memory_space<hbm>>
      tpu.wait_indirect_dma semaphore(%arg11 : memref<!tpu.dma_semaphore, #tpu.memory_space<semaphore_mem>>) src(%dma_wait3A_96 : memref<1015808x64xf32, #tpu.memory_space<hbm>>) dst(%dma_wait3A_90 : memref<96x64xf32, #tpu.memory_space<vmem>>)
      %broadcast_in_dim3A = arith.constant 0.000000e+00 : f32
      %broadcast_in_dim3A_97 = vector.broadcast %broadcast_in_dim3A : f32 to vector<16xf32>
      %scan3A_98 = arith.constant 0 : i32
      %scan3A_99 = arith.constant 50 : i32
      %scan3A_100 = arith.addi %scan3A_98, %scan3A_99 : i32
      %scan3A_101 = arith.constant 1 : i32
      %scan3A_102:4 = scf.for %scan3A_294 = %scan3A_98 to %scan3A_100 step %scan3A_101 iter_args(%scan3A_295 = %broadcast_in_dim3A_97, %scan3A_296 = %broadcast_in_dim3A_97, %scan3A_297 = %broadcast_in_dim3A_97, %scan3A_298 = %broadcast_in_dim3A_97) -> (vector<16xf32>, vector<16xf32>, vector<16xf32>, vector<16xf32>)  : i32 {
        %mul3A_299 = arith.constant 4 : i32
        %mul3A_300 = arith.muli %scan3A_294, %mul3A_299 : i32
        %add3A_301 = arith.constant 0 : i32
        %add3A_302 = arith.addi %mul3A_300, %add3A_301 : i32
        %get3A = arith.index_cast %add3A_302 : i32 to index
        %get3A_303 = arith.constant 0 : index
        %get3A_304 = tpu.vector_load %arg6[%get3A, %get3A_303] {strides = array<i32>} : memref<200x64xf32, #tpu.memory_space<vmem>>, vector<1x16xf32>,
        %get3A_305 = vector.shape_cast %get3A_304 : vector<1x16xf32> to vector<16xf32>
        %add3A_306 = arith.addf %scan3A_295, %get3A_305 : vector<16xf32>
        %get3A_307 = arith.index_cast %add3A_302 : i32 to index
        %get3A_308 = arith.constant 16 : index
        %get3A_309 = tpu.vector_load %arg6[%get3A_307, %get3A_308] {strides = array<i32>} : memref<200x64xf32, #tpu.memory_space<vmem>>, vector<1x16xf32>,
        %get3A_310 = vector.shape_cast %get3A_309 : vector<1x16xf32> to vector<16xf32>
        %add3A_311 = arith.addf %scan3A_296, %get3A_310 : vector<16xf32>
        %get3A_312 = arith.index_cast %add3A_302 : i32 to index
        %get3A_313 = arith.constant 32 : index
        %get3A_314 = tpu.vector_load %arg6[%get3A_312, %get3A_313] {strides = array<i32>} : memref<200x64xf32, #tpu.memory_space<vmem>>, vector<1x16xf32>,
        %get3A_315 = vector.shape_cast %get3A_314 : vector<1x16xf32> to vector<16xf32>
        %add3A_316 = arith.addf %scan3A_297, %get3A_315 : vector<16xf32>
        %get3A_317 = arith.index_cast %add3A_302 : i32 to index
        %get3A_318 = arith.constant 48 : index
        %get3A_319 = tpu.vector_load %arg6[%get3A_317, %get3A_318] {strides = array<i32>} : memref<200x64xf32, #tpu.memory_space<vmem>>, vector<1x16xf32>,
        %get3A_320 = vector.shape_cast %get3A_319 : vector<1x16xf32> to vector<16xf32>
        %add3A_321 = arith.addf %scan3A_298, %get3A_320 : vector<16xf32>
        %mul3A_322 = arith.constant 4 : i32
        %mul3A_323 = arith.muli %scan3A_294, %mul3A_322 : i32
        %add3A_324 = arith.constant 1 : i32
        %add3A_325 = arith.addi %mul3A_323, %add3A_324 : i32
        %get3A_326 = arith.index_cast %add3A_325 : i32 to index
        %get3A_327 = arith.constant 0 : index
        %get3A_328 = tpu.vector_load %arg6[%get3A_326, %get3A_327] {strides = array<i32>} : memref<200x64xf32, #tpu.memory_space<vmem>>, vector<1x16xf32>,
        %get3A_329 = vector.shape_cast %get3A_328 : vector<1x16xf32> to vector<16xf32>
        %add3A_330 = arith.addf %add3A_306, %get3A_329 : vector<16xf32>
        %get3A_331 = arith.index_cast %add3A_325 : i32 to index
        %get3A_332 = arith.constant 16 : index
        %get3A_333 = tpu.vector_load %arg6[%get3A_331, %get3A_332] {strides = array<i32>} : memref<200x64xf32, #tpu.memory_space<vmem>>, vector<1x16xf32>,
        %get3A_334 = vector.shape_cast %get3A_333 : vector<1x16xf32> to vector<16xf32>
        %add3A_335 = arith.addf %add3A_311, %get3A_334 : vector<16xf32>
        %get3A_336 = arith.index_cast %add3A_325 : i32 to index
        %get3A_337 = arith.constant 32 : index
        %get3A_338 = tpu.vector_load %arg6[%get3A_336, %get3A_337] {strides = array<i32>} : memref<200x64xf32, #tpu.memory_space<vmem>>, vector<1x16xf32>,
        %get3A_339 = vector.shape_cast %get3A_338 : vector<1x16xf32> to vector<16xf32>
        %add3A_340 = arith.addf %add3A_316, %get3A_339 : vector<16xf32>
        %get3A_341 = arith.index_cast %add3A_325 : i32 to index
        %get3A_342 = arith.constant 48 : index
        %get3A_343 = tpu.vector_load %arg6[%get3A_341, %get3A_342] {strides = array<i32>} : memref<200x64xf32, #tpu.memory_space<vmem>>, vector<1x16xf32>,
        %get3A_344 = vector.shape_cast %get3A_343 : vector<1x16xf32> to vector<16xf32>
        %add3A_345 = arith.addf %add3A_321, %get3A_344 : vector<16xf32>
        %mul3A_346 = arith.constant 4 : i32
        %mul3A_347 = arith.muli %scan3A_294, %mul3A_346 : i32
        %add3A_348 = arith.constant 2 : i32
        %add3A_349 = arith.addi %mul3A_347, %add3A_348 : i32
        %get3A_350 = arith.index_cast %add3A_349 : i32 to index
        %get3A_351 = arith.constant 0 : index
        %get3A_352 = tpu.vector_load %arg6[%get3A_350, %get3A_351] {strides = array<i32>} : memref<200x64xf32, #tpu.memory_space<vmem>>, vector<1x16xf32>,
        %get3A_353 = vector.shape_cast %get3A_352 : vector<1x16xf32> to vector<16xf32>
        %add3A_354 = arith.addf %add3A_330, %get3A_353 : vector<16xf32>
        %get3A_355 = arith.index_cast %add3A_349 : i32 to index
        %get3A_356 = arith.constant 16 : index
        %get3A_357 = tpu.vector_load %arg6[%get3A_355, %get3A_356] {strides = array<i32>} : memref<200x64xf32, #tpu.memory_space<vmem>>, vector<1x16xf32>,
        %get3A_358 = vector.shape_cast %get3A_357 : vector<1x16xf32> to vector<16xf32>
        %add3A_359 = arith.addf %add3A_335, %get3A_358 : vector<16xf32>
        %get3A_360 = arith.index_cast %add3A_349 : i32 to index
        %get3A_361 = arith.constant 32 : index
        %get3A_362 = tpu.vector_load %arg6[%get3A_360, %get3A_361] {strides = array<i32>} : memref<200x64xf32, #tpu.memory_space<vmem>>, vector<1x16xf32>,
        %get3A_363 = vector.shape_cast %get3A_362 : vector<1x16xf32> to vector<16xf32>
        %add3A_364 = arith.addf %add3A_340, %get3A_363 : vector<16xf32>
        %get3A_365 = arith.index_cast %add3A_349 : i32 to index
        %get3A_366 = arith.constant 48 : index
        %get3A_367 = tpu.vector_load %arg6[%get3A_365, %get3A_366] {strides = array<i32>} : memref<200x64xf32, #tpu.memory_space<vmem>>, vector<1x16xf32>,
        %get3A_368 = vector.shape_cast %get3A_367 : vector<1x16xf32> to vector<16xf32>
        %add3A_369 = arith.addf %add3A_345, %get3A_368 : vector<16xf32>
        %mul3A_370 = arith.constant 4 : i32
        %mul3A_371 = arith.muli %scan3A_294, %mul3A_370 : i32
        %add3A_372 = arith.constant 3 : i32
        %add3A_373 = arith.addi %mul3A_371, %add3A_372 : i32
        %get3A_374 = arith.index_cast %add3A_373 : i32 to index
        %get3A_375 = arith.constant 0 : index
        %get3A_376 = tpu.vector_load %arg6[%get3A_374, %get3A_375] {strides = array<i32>} : memref<200x64xf32, #tpu.memory_space<vmem>>, vector<1x16xf32>,
        %get3A_377 = vector.shape_cast %get3A_376 : vector<1x16xf32> to vector<16xf32>
        %add3A_378 = arith.addf %add3A_354, %get3A_377 : vector<16xf32>
        %get3A_379 = arith.index_cast %add3A_373 : i32 to index
        %get3A_380 = arith.constant 16 : index
        %get3A_381 = tpu.vector_load %arg6[%get3A_379, %get3A_380] {strides = array<i32>} : memref<200x64xf32, #tpu.memory_space<vmem>>, vector<1x16xf32>,
        %get3A_382 = vector.shape_cast %get3A_381 : vector<1x16xf32> to vector<16xf32>
        %add3A_383 = arith.addf %add3A_359, %get3A_382 : vector<16xf32>
        %get3A_384 = arith.index_cast %add3A_373 : i32 to index
        %get3A_385 = arith.constant 32 : index
        %get3A_386 = tpu.vector_load %arg6[%get3A_384, %get3A_385] {strides = array<i32>} : memref<200x64xf32, #tpu.memory_space<vmem>>, vector<1x16xf32>,
        %get3A_387 = vector.shape_cast %get3A_386 : vector<1x16xf32> to vector<16xf32>
        %add3A_388 = arith.addf %add3A_364, %get3A_387 : vector<16xf32>
        %get3A_389 = arith.index_cast %add3A_373 : i32 to index
        %get3A_390 = arith.constant 48 : index
        %get3A_391 = tpu.vector_load %arg6[%get3A_389, %get3A_390] {strides = array<i32>} : memref<200x64xf32, #tpu.memory_space<vmem>>, vector<1x16xf32>,
        %get3A_392 = vector.shape_cast %get3A_391 : vector<1x16xf32> to vector<16xf32>
        %add3A_393 = arith.addf %add3A_369, %get3A_392 : vector<16xf32>
        scf.yield %add3A_378, %add3A_383, %add3A_388, %add3A_393 : vector<16xf32>, vector<16xf32>, vector<16xf32>, vector<16xf32>
      }
      %scan3A_103 = arith.constant 50 : i32
      %swap3A = arith.index_cast %add3A_73 : i32 to index
      %swap3A_104 = arith.constant 0 : index
      %swap3A_105 = tpu.vector_load %arg10[%swap3A, %swap3A_104] {strides = array<i32>} : memref<128x64xf32, #tpu.memory_space<vmem>>, vector<1x16xf32>,
      %swap3A_106 = vector.shape_cast %swap3A_105 : vector<1x16xf32> to vector<16xf32>
      %swap3A_107 = vector.shape_cast %scan3A_102#0 : vector<16xf32> to vector<1x16xf32>
      tpu.vector_store %arg10[%swap3A, %swap3A_104], %swap3A_107 {strides = array<i32>} : memref<128x64xf32, #tpu.memory_space<vmem>>, vector<1x16xf32>,
      %swap3A_108 = arith.index_cast %add3A_73 : i32 to index
      %swap3A_109 = arith.constant 16 : index
      %swap3A_110 = tpu.vector_load %arg10[%swap3A_108, %swap3A_109] {strides = array<i32>} : memref<128x64xf32, #tpu.memory_space<vmem>>, vector<1x16xf32>,
      %swap3A_111 = vector.shape_cast %swap3A_110 : vector<1x16xf32> to vector<16xf32>
      %swap3A_112 = vector.shape_cast %scan3A_102#1 : vector<16xf32> to vector<1x16xf32>
      tpu.vector_store %arg10[%swap3A_108, %swap3A_109], %swap3A_112 {strides = array<i32>} : memref<128x64xf32, #tpu.memory_space<vmem>>, vector<1x16xf32>,
      %swap3A_113 = arith.index_cast %add3A_73 : i32 to index
      %swap3A_114 = arith.constant 32 : index
      %swap3A_115 = tpu.vector_load %arg10[%swap3A_113, %swap3A_114] {strides = array<i32>} : memref<128x64xf32, #tpu.memory_space<vmem>>, vector<1x16xf32>,
      %swap3A_116 = vector.shape_cast %swap3A_115 : vector<1x16xf32> to vector<16xf32>
      %swap3A_117 = vector.shape_cast %scan3A_102#2 : vector<16xf32> to vector<1x16xf32>
      tpu.vector_store %arg10[%swap3A_113, %swap3A_114], %swap3A_117 {strides = array<i32>} : memref<128x64xf32, #tpu.memory_space<vmem>>, vector<1x16xf32>,
      %swap3A_118 = arith.index_cast %add3A_73 : i32 to index
      %swap3A_119 = arith.constant 48 : index
      %swap3A_120 = tpu.vector_load %arg10[%swap3A_118, %swap3A_119] {strides = array<i32>} : memref<128x64xf32, #tpu.memory_space<vmem>>, vector<1x16xf32>,
      %swap3A_121 = vector.shape_cast %swap3A_120 : vector<1x16xf32> to vector<16xf32>
      %swap3A_122 = vector.shape_cast %scan3A_102#3 : vector<16xf32> to vector<1x16xf32>
      tpu.vector_store %arg10[%swap3A_118, %swap3A_119], %swap3A_122 {strides = array<i32>} : memref<128x64xf32, #tpu.memory_space<vmem>>, vector<1x16xf32>,
      %add3A_123 = arith.constant 1 : i32
      %add3A_124 = arith.addi %mul3A_71, %add3A_123 : i32
      %add3A_125 = arith.constant 3 : i32
      %add3A_126 = arith.addi %add3A_124, %add3A_125 : i32
      %lt3A_127 = arith.constant 128 : i32
      %lt3A_128 = arith.cmpi slt, %add3A_126, %lt3A_127 : i32
      %convert_element_type3A_129 = arith.extui %lt3A_128 : i1 to i32
      %cond3A_130 = arith.constant 0 : i32
      %cond3A_131 = arith.cmpi ne, %convert_element_type3A_129, %cond3A_130 : i32
      scf.if %cond3A_131 {
        %add3A_294 = arith.constant 3 : i32
        %add3A_295 = arith.addi %add3A_124, %add3A_294 : i32
        %dma_start3A_296 = arith.constant 0 : i32
        %dma_start3A_297 = arith.constant 0 : i32
        %dma_start3A_298 = tpu.memref_slice %arg6[%dma_start3A_296, %dma_start3A_297] : memref<200x64xf32, #tpu.memory_space<vmem>> -> memref<104x64xf32, #tpu.memory_space<vmem>>
        %dma_start3A_299 = arith.constant 0 : i32
        %dma_start3A_300 = tpu.memref_slice %arg5[%add3A_295, %dma_start3A_299] : memref<128x200xi32, #tpu.memory_space<vmem>> -> memref<1x104xi32, #tpu.memory_space<vmem>>
        %dma_start3A_301 = tpu.memref_squeeze %dma_start3A_300 : memref<1x104xi32, #tpu.memory_space<vmem>> -> memref<104xi32, #tpu.memory_space<vmem>>
        %dma_start3A_302 = arith.constant 0 : i32
        %dma_start3A_303 = arith.constant 0 : i32
        %dma_start3A_304 = tpu.memref_slice %arg3[%dma_start3A_302, %dma_start3A_303] : memref<1015808x64xf32, #tpu.memory_space<hbm>> -> memref<1015808x64xf32, #tpu.memory_space<hbm>>
        tpu.enqueue_indirect_dma source(%dma_start3A_304 : memref<1015808x64xf32, #tpu.memory_space<hbm>>) target(%dma_start3A_298 : memref<104x64xf32, #tpu.memory_space<vmem>>) offsets(%dma_start3A_301 : memref<104xi32, #tpu.memory_space<vmem>>) semaphore(%arg11 : memref<!tpu.dma_semaphore, #tpu.memory_space<semaphore_mem>>)
        %dma_start3A_305 = arith.constant 104 : i32
        %dma_start3A_306 = arith.constant 0 : i32
        %dma_start3A_307 = tpu.memref_slice %arg6[%dma_start3A_305, %dma_start3A_306] : memref<200x64xf32, #tpu.memory_space<vmem>> -> memref<96x64xf32, #tpu.memory_space<vmem>>
        %dma_start3A_308 = arith.constant 104 : i32
        %dma_start3A_309 = tpu.memref_slice %arg5[%add3A_295, %dma_start3A_308] : memref<128x200xi32, #tpu.memory_space<vmem>> -> memref<1x96xi32, #tpu.memory_space<vmem>>
        %dma_start3A_310 = tpu.memref_squeeze %dma_start3A_309 : memref<1x96xi32, #tpu.memory_space<vmem>> -> memref<96xi32, #tpu.memory_space<vmem>>
        %dma_start3A_311 = arith.constant 0 : i32
        %dma_start3A_312 = arith.constant 0 : i32
        %dma_start3A_313 = tpu.memref_slice %arg3[%dma_start3A_311, %dma_start3A_312] : memref<1015808x64xf32, #tpu.memory_space<hbm>> -> memref<1015808x64xf32, #tpu.memory_space<hbm>>
        tpu.enqueue_indirect_dma source(%dma_start3A_313 : memref<1015808x64xf32, #tpu.memory_space<hbm>>) target(%dma_start3A_307 : memref<96x64xf32, #tpu.memory_space<vmem>>) offsets(%dma_start3A_310 : memref<96xi32, #tpu.memory_space<vmem>>) semaphore(%arg11 : memref<!tpu.dma_semaphore, #tpu.memory_space<semaphore_mem>>)
      } else {
      }
      %dma_wait3A_132 = arith.constant 0 : i32
      %dma_wait3A_133 = arith.constant 0 : i32
      %dma_wait3A_134 = arith.constant 0 : i32
      %dma_wait3A_135 = tpu.memref_slice %arg7[%dma_wait3A_133, %dma_wait3A_134] : memref<200x64xf32, #tpu.memory_space<vmem>> -> memref<104x64xf32, #tpu.memory_space<vmem>>
      %dma_wait3A_136 = arith.constant 0 : i32
      %dma_wait3A_137 = tpu.memref_slice %arg5[%dma_wait3A_132, %dma_wait3A_136] : memref<128x200xi32, #tpu.memory_space<vmem>> -> memref<1x104xi32, #tpu.memory_space<vmem>>
      %dma_wait3A_138 = tpu.memref_squeeze %dma_wait3A_137 : memref<1x104xi32, #tpu.memory_space<vmem>> -> memref<104xi32, #tpu.memory_space<vmem>>
      %dma_wait3A_139 = arith.constant 0 : i32
      %dma_wait3A_140 = arith.constant 0 : i32
      %dma_wait3A_141 = tpu.memref_slice %arg3[%dma_wait3A_139, %dma_wait3A_140] : memref<1015808x64xf32, #tpu.memory_space<hbm>> -> memref<1015808x64xf32, #tpu.memory_space<hbm>>
      tpu.wait_indirect_dma semaphore(%arg12 : memref<!tpu.dma_semaphore, #tpu.memory_space<semaphore_mem>>) src(%dma_wait3A_141 : memref<1015808x64xf32, #tpu.memory_space<hbm>>) dst(%dma_wait3A_135 : memref<104x64xf32, #tpu.memory_space<vmem>>)
      %dma_wait3A_142 = arith.constant 0 : i32
      %dma_wait3A_143 = arith.constant 104 : i32
      %dma_wait3A_144 = arith.constant 0 : i32
      %dma_wait3A_145 = tpu.memref_slice %arg7[%dma_wait3A_143, %dma_wait3A_144] : memref<200x64xf32, #tpu.memory_space<vmem>> -> memref<96x64xf32, #tpu.memory_space<vmem>>
      %dma_wait3A_146 = arith.constant 104 : i32
      %dma_wait3A_147 = tpu.memref_slice %arg5[%dma_wait3A_142, %dma_wait3A_146] : memref<128x200xi32, #tpu.memory_space<vmem>> -> memref<1x96xi32, #tpu.memory_space<vmem>>
      %dma_wait3A_148 = tpu.memref_squeeze %dma_wait3A_147 : memref<1x96xi32, #tpu.memory_space<vmem>> -> memref<96xi32, #tpu.memory_space<vmem>>
      %dma_wait3A_149 = arith.constant 0 : i32
      %dma_wait3A_150 = arith.constant 0 : i32
      %dma_wait3A_151 = tpu.memref_slice %arg3[%dma_wait3A_149, %dma_wait3A_150] : memref<1015808x64xf32, #tpu.memory_space<hbm>> -> memref<1015808x64xf32, #tpu.memory_space<hbm>>
      tpu.wait_indirect_dma semaphore(%arg12 : memref<!tpu.dma_semaphore, #tpu.memory_space<semaphore_mem>>) src(%dma_wait3A_151 : memref<1015808x64xf32, #tpu.memory_space<hbm>>) dst(%dma_wait3A_145 : memref<96x64xf32, #tpu.memory_space<vmem>>)
      %broadcast_in_dim3A_152 = arith.constant 0.000000e+00 : f32
      %broadcast_in_dim3A_153 = vector.broadcast %broadcast_in_dim3A_152 : f32 to vector<16xf32>
      %scan3A_154 = arith.constant 0 : i32
      %scan3A_155 = arith.constant 50 : i32
      %scan3A_156 = arith.addi %scan3A_154, %scan3A_155 : i32
      %scan3A_157 = arith.constant 1 : i32
      %scan3A_158:4 = scf.for %scan3A_294 = %scan3A_154 to %scan3A_156 step %scan3A_157 iter_args(%scan3A_295 = %broadcast_in_dim3A_153, %scan3A_296 = %broadcast_in_dim3A_153, %scan3A_297 = %broadcast_in_dim3A_153, %scan3A_298 = %broadcast_in_dim3A_153) -> (vector<16xf32>, vector<16xf32>, vector<16xf32>, vector<16xf32>)  : i32 {
        %mul3A_299 = arith.constant 4 : i32
        %mul3A_300 = arith.muli %scan3A_294, %mul3A_299 : i32
        %add3A_301 = arith.constant 0 : i32
        %add3A_302 = arith.addi %mul3A_300, %add3A_301 : i32
        %get3A = arith.index_cast %add3A_302 : i32 to index
        %get3A_303 = arith.constant 0 : index
        %get3A_304 = tpu.vector_load %arg7[%get3A, %get3A_303] {strides = array<i32>} : memref<200x64xf32, #tpu.memory_space<vmem>>, vector<1x16xf32>,
        %get3A_305 = vector.shape_cast %get3A_304 : vector<1x16xf32> to vector<16xf32>
        %add3A_306 = arith.addf %scan3A_295, %get3A_305 : vector<16xf32>
        %get3A_307 = arith.index_cast %add3A_302 : i32 to index
        %get3A_308 = arith.constant 16 : index
        %get3A_309 = tpu.vector_load %arg7[%get3A_307, %get3A_308] {strides = array<i32>} : memref<200x64xf32, #tpu.memory_space<vmem>>, vector<1x16xf32>,
        %get3A_310 = vector.shape_cast %get3A_309 : vector<1x16xf32> to vector<16xf32>
        %add3A_311 = arith.addf %scan3A_296, %get3A_310 : vector<16xf32>
        %get3A_312 = arith.index_cast %add3A_302 : i32 to index
        %get3A_313 = arith.constant 32 : index
        %get3A_314 = tpu.vector_load %arg7[%get3A_312, %get3A_313] {strides = array<i32>} : memref<200x64xf32, #tpu.memory_space<vmem>>, vector<1x16xf32>,
        %get3A_315 = vector.shape_cast %get3A_314 : vector<1x16xf32> to vector<16xf32>
        %add3A_316 = arith.addf %scan3A_297, %get3A_315 : vector<16xf32>
        %get3A_317 = arith.index_cast %add3A_302 : i32 to index
        %get3A_318 = arith.constant 48 : index
        %get3A_319 = tpu.vector_load %arg7[%get3A_317, %get3A_318] {strides = array<i32>} : memref<200x64xf32, #tpu.memory_space<vmem>>, vector<1x16xf32>,
        %get3A_320 = vector.shape_cast %get3A_319 : vector<1x16xf32> to vector<16xf32>
        %add3A_321 = arith.addf %scan3A_298, %get3A_320 : vector<16xf32>
        %mul3A_322 = arith.constant 4 : i32
        %mul3A_323 = arith.muli %scan3A_294, %mul3A_322 : i32
        %add3A_324 = arith.constant 1 : i32
        %add3A_325 = arith.addi %mul3A_323, %add3A_324 : i32
        %get3A_326 = arith.index_cast %add3A_325 : i32 to index
        %get3A_327 = arith.constant 0 : index
        %get3A_328 = tpu.vector_load %arg7[%get3A_326, %get3A_327] {strides = array<i32>} : memref<200x64xf32, #tpu.memory_space<vmem>>, vector<1x16xf32>,
        %get3A_329 = vector.shape_cast %get3A_328 : vector<1x16xf32> to vector<16xf32>
        %add3A_330 = arith.addf %add3A_306, %get3A_329 : vector<16xf32>
        %get3A_331 = arith.index_cast %add3A_325 : i32 to index
        %get3A_332 = arith.constant 16 : index
        %get3A_333 = tpu.vector_load %arg7[%get3A_331, %get3A_332] {strides = array<i32>} : memref<200x64xf32, #tpu.memory_space<vmem>>, vector<1x16xf32>,
        %get3A_334 = vector.shape_cast %get3A_333 : vector<1x16xf32> to vector<16xf32>
        %add3A_335 = arith.addf %add3A_311, %get3A_334 : vector<16xf32>
        %get3A_336 = arith.index_cast %add3A_325 : i32 to index
        %get3A_337 = arith.constant 32 : index
        %get3A_338 = tpu.vector_load %arg7[%get3A_336, %get3A_337] {strides = array<i32>} : memref<200x64xf32, #tpu.memory_space<vmem>>, vector<1x16xf32>,
        %get3A_339 = vector.shape_cast %get3A_338 : vector<1x16xf32> to vector<16xf32>
        %add3A_340 = arith.addf %add3A_316, %get3A_339 : vector<16xf32>
        %get3A_341 = arith.index_cast %add3A_325 : i32 to index
        %get3A_342 = arith.constant 48 : index
        %get3A_343 = tpu.vector_load %arg7[%get3A_341, %get3A_342] {strides = array<i32>} : memref<200x64xf32, #tpu.memory_space<vmem>>, vector<1x16xf32>,
        %get3A_344 = vector.shape_cast %get3A_343 : vector<1x16xf32> to vector<16xf32>
        %add3A_345 = arith.addf %add3A_321, %get3A_344 : vector<16xf32>
        %mul3A_346 = arith.constant 4 : i32
        %mul3A_347 = arith.muli %scan3A_294, %mul3A_346 : i32
        %add3A_348 = arith.constant 2 : i32
        %add3A_349 = arith.addi %mul3A_347, %add3A_348 : i32
        %get3A_350 = arith.index_cast %add3A_349 : i32 to index
        %get3A_351 = arith.constant 0 : index
        %get3A_352 = tpu.vector_load %arg7[%get3A_350, %get3A_351] {strides = array<i32>} : memref<200x64xf32, #tpu.memory_space<vmem>>, vector<1x16xf32>,
        %get3A_353 = vector.shape_cast %get3A_352 : vector<1x16xf32> to vector<16xf32>
        %add3A_354 = arith.addf %add3A_330, %get3A_353 : vector<16xf32>
        %get3A_355 = arith.index_cast %add3A_349 : i32 to index
        %get3A_356 = arith.constant 16 : index
        %get3A_357 = tpu.vector_load %arg7[%get3A_355, %get3A_356] {strides = array<i32>} : memref<200x64xf32, #tpu.memory_space<vmem>>, vector<1x16xf32>,
        %get3A_358 = vector.shape_cast %get3A_357 : vector<1x16xf32> to vector<16xf32>
        %add3A_359 = arith.addf %add3A_335, %get3A_358 : vector<16xf32>
        %get3A_360 = arith.index_cast %add3A_349 : i32 to index
        %get3A_361 = arith.constant 32 : index
        %get3A_362 = tpu.vector_load %arg7[%get3A_360, %get3A_361] {strides = array<i32>} : memref<200x64xf32, #tpu.memory_space<vmem>>, vector<1x16xf32>,
        %get3A_363 = vector.shape_cast %get3A_362 : vector<1x16xf32> to vector<16xf32>
        %add3A_364 = arith.addf %add3A_340, %get3A_363 : vector<16xf32>
        %get3A_365 = arith.index_cast %add3A_349 : i32 to index
        %get3A_366 = arith.constant 48 : index
        %get3A_367 = tpu.vector_load %arg7[%get3A_365, %get3A_366] {strides = array<i32>} : memref<200x64xf32, #tpu.memory_space<vmem>>, vector<1x16xf32>,
        %get3A_368 = vector.shape_cast %get3A_367 : vector<1x16xf32> to vector<16xf32>
        %add3A_369 = arith.addf %add3A_345, %get3A_368 : vector<16xf32>
        %mul3A_370 = arith.constant 4 : i32
        %mul3A_371 = arith.muli %scan3A_294, %mul3A_370 : i32
        %add3A_372 = arith.constant 3 : i32
        %add3A_373 = arith.addi %mul3A_371, %add3A_372 : i32
        %get3A_374 = arith.index_cast %add3A_373 : i32 to index
        %get3A_375 = arith.constant 0 : index
        %get3A_376 = tpu.vector_load %arg7[%get3A_374, %get3A_375] {strides = array<i32>} : memref<200x64xf32, #tpu.memory_space<vmem>>, vector<1x16xf32>,
        %get3A_377 = vector.shape_cast %get3A_376 : vector<1x16xf32> to vector<16xf32>
        %add3A_378 = arith.addf %add3A_354, %get3A_377 : vector<16xf32>
        %get3A_379 = arith.index_cast %add3A_373 : i32 to index
        %get3A_380 = arith.constant 16 : index
        %get3A_381 = tpu.vector_load %arg7[%get3A_379, %get3A_380] {strides = array<i32>} : memref<200x64xf32, #tpu.memory_space<vmem>>, vector<1x16xf32>,
        %get3A_382 = vector.shape_cast %get3A_381 : vector<1x16xf32> to vector<16xf32>
        %add3A_383 = arith.addf %add3A_359, %get3A_382 : vector<16xf32>
        %get3A_384 = arith.index_cast %add3A_373 : i32 to index
        %get3A_385 = arith.constant 32 : index
        %get3A_386 = tpu.vector_load %arg7[%get3A_384, %get3A_385] {strides = array<i32>} : memref<200x64xf32, #tpu.memory_space<vmem>>, vector<1x16xf32>,
        %get3A_387 = vector.shape_cast %get3A_386 : vector<1x16xf32> to vector<16xf32>
        %add3A_388 = arith.addf %add3A_364, %get3A_387 : vector<16xf32>
        %get3A_389 = arith.index_cast %add3A_373 : i32 to index
        %get3A_390 = arith.constant 48 : index
        %get3A_391 = tpu.vector_load %arg7[%get3A_389, %get3A_390] {strides = array<i32>} : memref<200x64xf32, #tpu.memory_space<vmem>>, vector<1x16xf32>,
        %get3A_392 = vector.shape_cast %get3A_391 : vector<1x16xf32> to vector<16xf32>
        %add3A_393 = arith.addf %add3A_369, %get3A_392 : vector<16xf32>
        scf.yield %add3A_378, %add3A_383, %add3A_388, %add3A_393 : vector<16xf32>, vector<16xf32>, vector<16xf32>, vector<16xf32>
      }
      %scan3A_159 = arith.constant 50 : i32
      %swap3A_160 = arith.index_cast %add3A_124 : i32 to index
      %swap3A_161 = arith.constant 0 : index
      %swap3A_162 = tpu.vector_load %arg10[%swap3A_160, %swap3A_161] {strides = array<i32>} : memref<128x64xf32, #tpu.memory_space<vmem>>, vector<1x16xf32>,
      %swap3A_163 = vector.shape_cast %swap3A_162 : vector<1x16xf32> to vector<16xf32>
      %swap3A_164 = vector.shape_cast %scan3A_158#0 : vector<16xf32> to vector<1x16xf32>
      tpu.vector_store %arg10[%swap3A_160, %swap3A_161], %swap3A_164 {strides = array<i32>} : memref<128x64xf32, #tpu.memory_space<vmem>>, vector<1x16xf32>,
      %swap3A_165 = arith.index_cast %add3A_124 : i32 to index
      %swap3A_166 = arith.constant 16 : index
      %swap3A_167 = tpu.vector_load %arg10[%swap3A_165, %swap3A_166] {strides = array<i32>} : memref<128x64xf32, #tpu.memory_space<vmem>>, vector<1x16xf32>,
      %swap3A_168 = vector.shape_cast %swap3A_167 : vector<1x16xf32> to vector<16xf32>
      %swap3A_169 = vector.shape_cast %scan3A_158#1 : vector<16xf32> to vector<1x16xf32>
      tpu.vector_store %arg10[%swap3A_165, %swap3A_166], %swap3A_169 {strides = array<i32>} : memref<128x64xf32, #tpu.memory_space<vmem>>, vector<1x16xf32>,
      %swap3A_170 = arith.index_cast %add3A_124 : i32 to index
      %swap3A_171 = arith.constant 32 : index
      %swap3A_172 = tpu.vector_load %arg10[%swap3A_170, %swap3A_171] {strides = array<i32>} : memref<128x64xf32, #tpu.memory_space<vmem>>, vector<1x16xf32>,
      %swap3A_173 = vector.shape_cast %swap3A_172 : vector<1x16xf32> to vector<16xf32>
      %swap3A_174 = vector.shape_cast %scan3A_158#2 : vector<16xf32> to vector<1x16xf32>
      tpu.vector_store %arg10[%swap3A_170, %swap3A_171], %swap3A_174 {strides = array<i32>} : memref<128x64xf32, #tpu.memory_space<vmem>>, vector<1x16xf32>,
      %swap3A_175 = arith.index_cast %add3A_124 : i32 to index
      %swap3A_176 = arith.constant 48 : index
      %swap3A_177 = tpu.vector_load %arg10[%swap3A_175, %swap3A_176] {strides = array<i32>} : memref<128x64xf32, #tpu.memory_space<vmem>>, vector<1x16xf32>,
      %swap3A_178 = vector.shape_cast %swap3A_177 : vector<1x16xf32> to vector<16xf32>
      %swap3A_179 = vector.shape_cast %scan3A_158#3 : vector<16xf32> to vector<1x16xf32>
      tpu.vector_store %arg10[%swap3A_175, %swap3A_176], %swap3A_179 {strides = array<i32>} : memref<128x64xf32, #tpu.memory_space<vmem>>, vector<1x16xf32>,
      %add3A_180 = arith.constant 2 : i32
      %add3A_181 = arith.addi %mul3A_71, %add3A_180 : i32
      %add3A_182 = arith.constant 3 : i32
      %add3A_183 = arith.addi %add3A_181, %add3A_182 : i32
      %lt3A_184 = arith.constant 128 : i32
      %lt3A_185 = arith.cmpi slt, %add3A_183, %lt3A_184 : i32
      %convert_element_type3A_186 = arith.extui %lt3A_185 : i1 to i32
      %cond3A_187 = arith.constant 0 : i32
      %cond3A_188 = arith.cmpi ne, %convert_element_type3A_186, %cond3A_187 : i32
      scf.if %cond3A_188 {
        %add3A_294 = arith.constant 3 : i32
        %add3A_295 = arith.addi %add3A_181, %add3A_294 : i32
        %dma_start3A_296 = arith.constant 0 : i32
        %dma_start3A_297 = arith.constant 0 : i32
        %dma_start3A_298 = tpu.memref_slice %arg7[%dma_start3A_296, %dma_start3A_297] : memref<200x64xf32, #tpu.memory_space<vmem>> -> memref<104x64xf32, #tpu.memory_space<vmem>>
        %dma_start3A_299 = arith.constant 0 : i32
        %dma_start3A_300 = tpu.memref_slice %arg5[%add3A_295, %dma_start3A_299] : memref<128x200xi32, #tpu.memory_space<vmem>> -> memref<1x104xi32, #tpu.memory_space<vmem>>
        %dma_start3A_301 = tpu.memref_squeeze %dma_start3A_300 : memref<1x104xi32, #tpu.memory_space<vmem>> -> memref<104xi32, #tpu.memory_space<vmem>>
        %dma_start3A_302 = arith.constant 0 : i32
        %dma_start3A_303 = arith.constant 0 : i32
        %dma_start3A_304 = tpu.memref_slice %arg3[%dma_start3A_302, %dma_start3A_303] : memref<1015808x64xf32, #tpu.memory_space<hbm>> -> memref<1015808x64xf32, #tpu.memory_space<hbm>>
        tpu.enqueue_indirect_dma source(%dma_start3A_304 : memref<1015808x64xf32, #tpu.memory_space<hbm>>) target(%dma_start3A_298 : memref<104x64xf32, #tpu.memory_space<vmem>>) offsets(%dma_start3A_301 : memref<104xi32, #tpu.memory_space<vmem>>) semaphore(%arg12 : memref<!tpu.dma_semaphore, #tpu.memory_space<semaphore_mem>>)
        %dma_start3A_305 = arith.constant 104 : i32
        %dma_start3A_306 = arith.constant 0 : i32
        %dma_start3A_307 = tpu.memref_slice %arg7[%dma_start3A_305, %dma_start3A_306] : memref<200x64xf32, #tpu.memory_space<vmem>> -> memref<96x64xf32, #tpu.memory_space<vmem>>
        %dma_start3A_308 = arith.constant 104 : i32
        %dma_start3A_309 = tpu.memref_slice %arg5[%add3A_295, %dma_start3A_308] : memref<128x200xi32, #tpu.memory_space<vmem>> -> memref<1x96xi32, #tpu.memory_space<vmem>>
        %dma_start3A_310 = tpu.memref_squeeze %dma_start3A_309 : memref<1x96xi32, #tpu.memory_space<vmem>> -> memref<96xi32, #tpu.memory_space<vmem>>
        %dma_start3A_311 = arith.constant 0 : i32
        %dma_start3A_312 = arith.constant 0 : i32
        %dma_start3A_313 = tpu.memref_slice %arg3[%dma_start3A_311, %dma_start3A_312] : memref<1015808x64xf32, #tpu.memory_space<hbm>> -> memref<1015808x64xf32, #tpu.memory_space<hbm>>
        tpu.enqueue_indirect_dma source(%dma_start3A_313 : memref<1015808x64xf32, #tpu.memory_space<hbm>>) target(%dma_start3A_307 : memref<96x64xf32, #tpu.memory_space<vmem>>) offsets(%dma_start3A_310 : memref<96xi32, #tpu.memory_space<vmem>>) semaphore(%arg12 : memref<!tpu.dma_semaphore, #tpu.memory_space<semaphore_mem>>)
      } else {
      }
      %dma_wait3A_189 = arith.constant 0 : i32
      %dma_wait3A_190 = arith.constant 0 : i32
      %dma_wait3A_191 = arith.constant 0 : i32
      %dma_wait3A_192 = tpu.memref_slice %arg8[%dma_wait3A_190, %dma_wait3A_191] : memref<200x64xf32, #tpu.memory_space<vmem>> -> memref<104x64xf32, #tpu.memory_space<vmem>>
      %dma_wait3A_193 = arith.constant 0 : i32
      %dma_wait3A_194 = tpu.memref_slice %arg5[%dma_wait3A_189, %dma_wait3A_193] : memref<128x200xi32, #tpu.memory_space<vmem>> -> memref<1x104xi32, #tpu.memory_space<vmem>>
      %dma_wait3A_195 = tpu.memref_squeeze %dma_wait3A_194 : memref<1x104xi32, #tpu.memory_space<vmem>> -> memref<104xi32, #tpu.memory_space<vmem>>
      %dma_wait3A_196 = arith.constant 0 : i32
      %dma_wait3A_197 = arith.constant 0 : i32
      %dma_wait3A_198 = tpu.memref_slice %arg3[%dma_wait3A_196, %dma_wait3A_197] : memref<1015808x64xf32, #tpu.memory_space<hbm>> -> memref<1015808x64xf32, #tpu.memory_space<hbm>>
      tpu.wait_indirect_dma semaphore(%arg13 : memref<!tpu.dma_semaphore, #tpu.memory_space<semaphore_mem>>) src(%dma_wait3A_198 : memref<1015808x64xf32, #tpu.memory_space<hbm>>) dst(%dma_wait3A_192 : memref<104x64xf32, #tpu.memory_space<vmem>>)
      %dma_wait3A_199 = arith.constant 0 : i32
      %dma_wait3A_200 = arith.constant 104 : i32
      %dma_wait3A_201 = arith.constant 0 : i32
      %dma_wait3A_202 = tpu.memref_slice %arg8[%dma_wait3A_200, %dma_wait3A_201] : memref<200x64xf32, #tpu.memory_space<vmem>> -> memref<96x64xf32, #tpu.memory_space<vmem>>
      %dma_wait3A_203 = arith.constant 104 : i32
      %dma_wait3A_204 = tpu.memref_slice %arg5[%dma_wait3A_199, %dma_wait3A_203] : memref<128x200xi32, #tpu.memory_space<vmem>> -> memref<1x96xi32, #tpu.memory_space<vmem>>
      %dma_wait3A_205 = tpu.memref_squeeze %dma_wait3A_204 : memref<1x96xi32, #tpu.memory_space<vmem>> -> memref<96xi32, #tpu.memory_space<vmem>>
      %dma_wait3A_206 = arith.constant 0 : i32
      %dma_wait3A_207 = arith.constant 0 : i32
      %dma_wait3A_208 = tpu.memref_slice %arg3[%dma_wait3A_206, %dma_wait3A_207] : memref<1015808x64xf32, #tpu.memory_space<hbm>> -> memref<1015808x64xf32, #tpu.memory_space<hbm>>
      tpu.wait_indirect_dma semaphore(%arg13 : memref<!tpu.dma_semaphore, #tpu.memory_space<semaphore_mem>>) src(%dma_wait3A_208 : memref<1015808x64xf32, #tpu.memory_space<hbm>>) dst(%dma_wait3A_202 : memref<96x64xf32, #tpu.memory_space<vmem>>)
      %broadcast_in_dim3A_209 = arith.constant 0.000000e+00 : f32
      %broadcast_in_dim3A_210 = vector.broadcast %broadcast_in_dim3A_209 : f32 to vector<16xf32>
      %scan3A_211 = arith.constant 0 : i32
      %scan3A_212 = arith.constant 50 : i32
      %scan3A_213 = arith.addi %scan3A_211, %scan3A_212 : i32
      %scan3A_214 = arith.constant 1 : i32
      %scan3A_215:4 = scf.for %scan3A_294 = %scan3A_211 to %scan3A_213 step %scan3A_214 iter_args(%scan3A_295 = %broadcast_in_dim3A_210, %scan3A_296 = %broadcast_in_dim3A_210, %scan3A_297 = %broadcast_in_dim3A_210, %scan3A_298 = %broadcast_in_dim3A_210) -> (vector<16xf32>, vector<16xf32>, vector<16xf32>, vector<16xf32>)  : i32 {
        %mul3A_299 = arith.constant 4 : i32
        %mul3A_300 = arith.muli %scan3A_294, %mul3A_299 : i32
        %add3A_301 = arith.constant 0 : i32
        %add3A_302 = arith.addi %mul3A_300, %add3A_301 : i32
        %get3A = arith.index_cast %add3A_302 : i32 to index
        %get3A_303 = arith.constant 0 : index
        %get3A_304 = tpu.vector_load %arg8[%get3A, %get3A_303] {strides = array<i32>} : memref<200x64xf32, #tpu.memory_space<vmem>>, vector<1x16xf32>,
        %get3A_305 = vector.shape_cast %get3A_304 : vector<1x16xf32> to vector<16xf32>
        %add3A_306 = arith.addf %scan3A_295, %get3A_305 : vector<16xf32>
        %get3A_307 = arith.index_cast %add3A_302 : i32 to index
        %get3A_308 = arith.constant 16 : index
        %get3A_309 = tpu.vector_load %arg8[%get3A_307, %get3A_308] {strides = array<i32>} : memref<200x64xf32, #tpu.memory_space<vmem>>, vector<1x16xf32>,
        %get3A_310 = vector.shape_cast %get3A_309 : vector<1x16xf32> to vector<16xf32>
        %add3A_311 = arith.addf %scan3A_296, %get3A_310 : vector<16xf32>
        %get3A_312 = arith.index_cast %add3A_302 : i32 to index
        %get3A_313 = arith.constant 32 : index
        %get3A_314 = tpu.vector_load %arg8[%get3A_312, %get3A_313] {strides = array<i32>} : memref<200x64xf32, #tpu.memory_space<vmem>>, vector<1x16xf32>,
        %get3A_315 = vector.shape_cast %get3A_314 : vector<1x16xf32> to vector<16xf32>
        %add3A_316 = arith.addf %scan3A_297, %get3A_315 : vector<16xf32>
        %get3A_317 = arith.index_cast %add3A_302 : i32 to index
        %get3A_318 = arith.constant 48 : index
        %get3A_319 = tpu.vector_load %arg8[%get3A_317, %get3A_318] {strides = array<i32>} : memref<200x64xf32, #tpu.memory_space<vmem>>, vector<1x16xf32>,
        %get3A_320 = vector.shape_cast %get3A_319 : vector<1x16xf32> to vector<16xf32>
        %add3A_321 = arith.addf %scan3A_298, %get3A_320 : vector<16xf32>
        %mul3A_322 = arith.constant 4 : i32
        %mul3A_323 = arith.muli %scan3A_294, %mul3A_322 : i32
        %add3A_324 = arith.constant 1 : i32
        %add3A_325 = arith.addi %mul3A_323, %add3A_324 : i32
        %get3A_326 = arith.index_cast %add3A_325 : i32 to index
        %get3A_327 = arith.constant 0 : index
        %get3A_328 = tpu.vector_load %arg8[%get3A_326, %get3A_327] {strides = array<i32>} : memref<200x64xf32, #tpu.memory_space<vmem>>, vector<1x16xf32>,
        %get3A_329 = vector.shape_cast %get3A_328 : vector<1x16xf32> to vector<16xf32>
        %add3A_330 = arith.addf %add3A_306, %get3A_329 : vector<16xf32>
        %get3A_331 = arith.index_cast %add3A_325 : i32 to index
        %get3A_332 = arith.constant 16 : index
        %get3A_333 = tpu.vector_load %arg8[%get3A_331, %get3A_332] {strides = array<i32>} : memref<200x64xf32, #tpu.memory_space<vmem>>, vector<1x16xf32>,
        %get3A_334 = vector.shape_cast %get3A_333 : vector<1x16xf32> to vector<16xf32>
        %add3A_335 = arith.addf %add3A_311, %get3A_334 : vector<16xf32>
        %get3A_336 = arith.index_cast %add3A_325 : i32 to index
        %get3A_337 = arith.constant 32 : index
        %get3A_338 = tpu.vector_load %arg8[%get3A_336, %get3A_337] {strides = array<i32>} : memref<200x64xf32, #tpu.memory_space<vmem>>, vector<1x16xf32>,
        %get3A_339 = vector.shape_cast %get3A_338 : vector<1x16xf32> to vector<16xf32>
        %add3A_340 = arith.addf %add3A_316, %get3A_339 : vector<16xf32>
        %get3A_341 = arith.index_cast %add3A_325 : i32 to index
        %get3A_342 = arith.constant 48 : index
        %get3A_343 = tpu.vector_load %arg8[%get3A_341, %get3A_342] {strides = array<i32>} : memref<200x64xf32, #tpu.memory_space<vmem>>, vector<1x16xf32>,
        %get3A_344 = vector.shape_cast %get3A_343 : vector<1x16xf32> to vector<16xf32>
        %add3A_345 = arith.addf %add3A_321, %get3A_344 : vector<16xf32>
        %mul3A_346 = arith.constant 4 : i32
        %mul3A_347 = arith.muli %scan3A_294, %mul3A_346 : i32
        %add3A_348 = arith.constant 2 : i32
        %add3A_349 = arith.addi %mul3A_347, %add3A_348 : i32
        %get3A_350 = arith.index_cast %add3A_349 : i32 to index
        %get3A_351 = arith.constant 0 : index
        %get3A_352 = tpu.vector_load %arg8[%get3A_350, %get3A_351] {strides = array<i32>} : memref<200x64xf32, #tpu.memory_space<vmem>>, vector<1x16xf32>,
        %get3A_353 = vector.shape_cast %get3A_352 : vector<1x16xf32> to vector<16xf32>
        %add3A_354 = arith.addf %add3A_330, %get3A_353 : vector<16xf32>
        %get3A_355 = arith.index_cast %add3A_349 : i32 to index
        %get3A_356 = arith.constant 16 : index
        %get3A_357 = tpu.vector_load %arg8[%get3A_355, %get3A_356] {strides = array<i32>} : memref<200x64xf32, #tpu.memory_space<vmem>>, vector<1x16xf32>,
        %get3A_358 = vector.shape_cast %get3A_357 : vector<1x16xf32> to vector<16xf32>
        %add3A_359 = arith.addf %add3A_335, %get3A_358 : vector<16xf32>
        %get3A_360 = arith.index_cast %add3A_349 : i32 to index
        %get3A_361 = arith.constant 32 : index
        %get3A_362 = tpu.vector_load %arg8[%get3A_360, %get3A_361] {strides = array<i32>} : memref<200x64xf32, #tpu.memory_space<vmem>>, vector<1x16xf32>,
        %get3A_363 = vector.shape_cast %get3A_362 : vector<1x16xf32> to vector<16xf32>
        %add3A_364 = arith.addf %add3A_340, %get3A_363 : vector<16xf32>
        %get3A_365 = arith.index_cast %add3A_349 : i32 to index
        %get3A_366 = arith.constant 48 : index
        %get3A_367 = tpu.vector_load %arg8[%get3A_365, %get3A_366] {strides = array<i32>} : memref<200x64xf32, #tpu.memory_space<vmem>>, vector<1x16xf32>,
        %get3A_368 = vector.shape_cast %get3A_367 : vector<1x16xf32> to vector<16xf32>
        %add3A_369 = arith.addf %add3A_345, %get3A_368 : vector<16xf32>
        %mul3A_370 = arith.constant 4 : i32
        %mul3A_371 = arith.muli %scan3A_294, %mul3A_370 : i32
        %add3A_372 = arith.constant 3 : i32
        %add3A_373 = arith.addi %mul3A_371, %add3A_372 : i32
        %get3A_374 = arith.index_cast %add3A_373 : i32 to index
        %get3A_375 = arith.constant 0 : index
        %get3A_376 = tpu.vector_load %arg8[%get3A_374, %get3A_375] {strides = array<i32>} : memref<200x64xf32, #tpu.memory_space<vmem>>, vector<1x16xf32>,
        %get3A_377 = vector.shape_cast %get3A_376 : vector<1x16xf32> to vector<16xf32>
        %add3A_378 = arith.addf %add3A_354, %get3A_377 : vector<16xf32>
        %get3A_379 = arith.index_cast %add3A_373 : i32 to index
        %get3A_380 = arith.constant 16 : index
        %get3A_381 = tpu.vector_load %arg8[%get3A_379, %get3A_380] {strides = array<i32>} : memref<200x64xf32, #tpu.memory_space<vmem>>, vector<1x16xf32>,
        %get3A_382 = vector.shape_cast %get3A_381 : vector<1x16xf32> to vector<16xf32>
        %add3A_383 = arith.addf %add3A_359, %get3A_382 : vector<16xf32>
        %get3A_384 = arith.index_cast %add3A_373 : i32 to index
        %get3A_385 = arith.constant 32 : index
        %get3A_386 = tpu.vector_load %arg8[%get3A_384, %get3A_385] {strides = array<i32>} : memref<200x64xf32, #tpu.memory_space<vmem>>, vector<1x16xf32>,
        %get3A_387 = vector.shape_cast %get3A_386 : vector<1x16xf32> to vector<16xf32>
        %add3A_388 = arith.addf %add3A_364, %get3A_387 : vector<16xf32>
        %get3A_389 = arith.index_cast %add3A_373 : i32 to index
        %get3A_390 = arith.constant 48 : index
        %get3A_391 = tpu.vector_load %arg8[%get3A_389, %get3A_390] {strides = array<i32>} : memref<200x64xf32, #tpu.memory_space<vmem>>, vector<1x16xf32>,
        %get3A_392 = vector.shape_cast %get3A_391 : vector<1x16xf32> to vector<16xf32>
        %add3A_393 = arith.addf %add3A_369, %get3A_392 : vector<16xf32>
        scf.yield %add3A_378, %add3A_383, %add3A_388, %add3A_393 : vector<16xf32>, vector<16xf32>, vector<16xf32>, vector<16xf32>
      }
      %scan3A_216 = arith.constant 50 : i32
      %swap3A_217 = arith.index_cast %add3A_181 : i32 to index
      %swap3A_218 = arith.constant 0 : index
      %swap3A_219 = tpu.vector_load %arg10[%swap3A_217, %swap3A_218] {strides = array<i32>} : memref<128x64xf32, #tpu.memory_space<vmem>>, vector<1x16xf32>,
      %swap3A_220 = vector.shape_cast %swap3A_219 : vector<1x16xf32> to vector<16xf32>
      %swap3A_221 = vector.shape_cast %scan3A_215#0 : vector<16xf32> to vector<1x16xf32>
      tpu.vector_store %arg10[%swap3A_217, %swap3A_218], %swap3A_221 {strides = array<i32>} : memref<128x64xf32, #tpu.memory_space<vmem>>, vector<1x16xf32>,
      %swap3A_222 = arith.index_cast %add3A_181 : i32 to index
      %swap3A_223 = arith.constant 16 : index
      %swap3A_224 = tpu.vector_load %arg10[%swap3A_222, %swap3A_223] {strides = array<i32>} : memref<128x64xf32, #tpu.memory_space<vmem>>, vector<1x16xf32>,
      %swap3A_225 = vector.shape_cast %swap3A_224 : vector<1x16xf32> to vector<16xf32>
      %swap3A_226 = vector.shape_cast %scan3A_215#1 : vector<16xf32> to vector<1x16xf32>
      tpu.vector_store %arg10[%swap3A_222, %swap3A_223], %swap3A_226 {strides = array<i32>} : memref<128x64xf32, #tpu.memory_space<vmem>>, vector<1x16xf32>,
      %swap3A_227 = arith.index_cast %add3A_181 : i32 to index
      %swap3A_228 = arith.constant 32 : index
      %swap3A_229 = tpu.vector_load %arg10[%swap3A_227, %swap3A_228] {strides = array<i32>} : memref<128x64xf32, #tpu.memory_space<vmem>>, vector<1x16xf32>,
      %swap3A_230 = vector.shape_cast %swap3A_229 : vector<1x16xf32> to vector<16xf32>
      %swap3A_231 = vector.shape_cast %scan3A_215#2 : vector<16xf32> to vector<1x16xf32>
      tpu.vector_store %arg10[%swap3A_227, %swap3A_228], %swap3A_231 {strides = array<i32>} : memref<128x64xf32, #tpu.memory_space<vmem>>, vector<1x16xf32>,
      %swap3A_232 = arith.index_cast %add3A_181 : i32 to index
      %swap3A_233 = arith.constant 48 : index
      %swap3A_234 = tpu.vector_load %arg10[%swap3A_232, %swap3A_233] {strides = array<i32>} : memref<128x64xf32, #tpu.memory_space<vmem>>, vector<1x16xf32>,
      %swap3A_235 = vector.shape_cast %swap3A_234 : vector<1x16xf32> to vector<16xf32>
      %swap3A_236 = vector.shape_cast %scan3A_215#3 : vector<16xf32> to vector<1x16xf32>
      tpu.vector_store %arg10[%swap3A_232, %swap3A_233], %swap3A_236 {strides = array<i32>} : memref<128x64xf32, #tpu.memory_space<vmem>>, vector<1x16xf32>,
      %add3A_237 = arith.constant 3 : i32
      %add3A_238 = arith.addi %mul3A_71, %add3A_237 : i32
      %add3A_239 = arith.constant 3 : i32
      %add3A_240 = arith.addi %add3A_238, %add3A_239 : i32
      %lt3A_241 = arith.constant 128 : i32
      %lt3A_242 = arith.cmpi slt, %add3A_240, %lt3A_241 : i32
      %convert_element_type3A_243 = arith.extui %lt3A_242 : i1 to i32
      %cond3A_244 = arith.constant 0 : i32
      %cond3A_245 = arith.cmpi ne, %convert_element_type3A_243, %cond3A_244 : i32
      scf.if %cond3A_245 {
        %add3A_294 = arith.constant 3 : i32
        %add3A_295 = arith.addi %add3A_238, %add3A_294 : i32
        %dma_start3A_296 = arith.constant 0 : i32
        %dma_start3A_297 = arith.constant 0 : i32
        %dma_start3A_298 = tpu.memref_slice %arg8[%dma_start3A_296, %dma_start3A_297] : memref<200x64xf32, #tpu.memory_space<vmem>> -> memref<104x64xf32, #tpu.memory_space<vmem>>
        %dma_start3A_299 = arith.constant 0 : i32
        %dma_start3A_300 = tpu.memref_slice %arg5[%add3A_295, %dma_start3A_299] : memref<128x200xi32, #tpu.memory_space<vmem>> -> memref<1x104xi32, #tpu.memory_space<vmem>>
        %dma_start3A_301 = tpu.memref_squeeze %dma_start3A_300 : memref<1x104xi32, #tpu.memory_space<vmem>> -> memref<104xi32, #tpu.memory_space<vmem>>
        %dma_start3A_302 = arith.constant 0 : i32
        %dma_start3A_303 = arith.constant 0 : i32
        %dma_start3A_304 = tpu.memref_slice %arg3[%dma_start3A_302, %dma_start3A_303] : memref<1015808x64xf32, #tpu.memory_space<hbm>> -> memref<1015808x64xf32, #tpu.memory_space<hbm>>
        tpu.enqueue_indirect_dma source(%dma_start3A_304 : memref<1015808x64xf32, #tpu.memory_space<hbm>>) target(%dma_start3A_298 : memref<104x64xf32, #tpu.memory_space<vmem>>) offsets(%dma_start3A_301 : memref<104xi32, #tpu.memory_space<vmem>>) semaphore(%arg13 : memref<!tpu.dma_semaphore, #tpu.memory_space<semaphore_mem>>)
        %dma_start3A_305 = arith.constant 104 : i32
        %dma_start3A_306 = arith.constant 0 : i32
        %dma_start3A_307 = tpu.memref_slice %arg8[%dma_start3A_305, %dma_start3A_306] : memref<200x64xf32, #tpu.memory_space<vmem>> -> memref<96x64xf32, #tpu.memory_space<vmem>>
        %dma_start3A_308 = arith.constant 104 : i32
        %dma_start3A_309 = tpu.memref_slice %arg5[%add3A_295, %dma_start3A_308] : memref<128x200xi32, #tpu.memory_space<vmem>> -> memref<1x96xi32, #tpu.memory_space<vmem>>
        %dma_start3A_310 = tpu.memref_squeeze %dma_start3A_309 : memref<1x96xi32, #tpu.memory_space<vmem>> -> memref<96xi32, #tpu.memory_space<vmem>>
        %dma_start3A_311 = arith.constant 0 : i32
        %dma_start3A_312 = arith.constant 0 : i32
        %dma_start3A_313 = tpu.memref_slice %arg3[%dma_start3A_311, %dma_start3A_312] : memref<1015808x64xf32, #tpu.memory_space<hbm>> -> memref<1015808x64xf32, #tpu.memory_space<hbm>>
        tpu.enqueue_indirect_dma source(%dma_start3A_313 : memref<1015808x64xf32, #tpu.memory_space<hbm>>) target(%dma_start3A_307 : memref<96x64xf32, #tpu.memory_space<vmem>>) offsets(%dma_start3A_310 : memref<96xi32, #tpu.memory_space<vmem>>) semaphore(%arg13 : memref<!tpu.dma_semaphore, #tpu.memory_space<semaphore_mem>>)
      } else {
      }
      %dma_wait3A_246 = arith.constant 0 : i32
      %dma_wait3A_247 = arith.constant 0 : i32
      %dma_wait3A_248 = arith.constant 0 : i32
      %dma_wait3A_249 = tpu.memref_slice %arg9[%dma_wait3A_247, %dma_wait3A_248] : memref<200x64xf32, #tpu.memory_space<vmem>> -> memref<104x64xf32, #tpu.memory_space<vmem>>
      %dma_wait3A_250 = arith.constant 0 : i32
      %dma_wait3A_251 = tpu.memref_slice %arg5[%dma_wait3A_246, %dma_wait3A_250] : memref<128x200xi32, #tpu.memory_space<vmem>> -> memref<1x104xi32, #tpu.memory_space<vmem>>
      %dma_wait3A_252 = tpu.memref_squeeze %dma_wait3A_251 : memref<1x104xi32, #tpu.memory_space<vmem>> -> memref<104xi32, #tpu.memory_space<vmem>>
      %dma_wait3A_253 = arith.constant 0 : i32
      %dma_wait3A_254 = arith.constant 0 : i32
      %dma_wait3A_255 = tpu.memref_slice %arg3[%dma_wait3A_253, %dma_wait3A_254] : memref<1015808x64xf32, #tpu.memory_space<hbm>> -> memref<1015808x64xf32, #tpu.memory_space<hbm>>
      tpu.wait_indirect_dma semaphore(%arg14 : memref<!tpu.dma_semaphore, #tpu.memory_space<semaphore_mem>>) src(%dma_wait3A_255 : memref<1015808x64xf32, #tpu.memory_space<hbm>>) dst(%dma_wait3A_249 : memref<104x64xf32, #tpu.memory_space<vmem>>)
      %dma_wait3A_256 = arith.constant 0 : i32
      %dma_wait3A_257 = arith.constant 104 : i32
      %dma_wait3A_258 = arith.constant 0 : i32
      %dma_wait3A_259 = tpu.memref_slice %arg9[%dma_wait3A_257, %dma_wait3A_258] : memref<200x64xf32, #tpu.memory_space<vmem>> -> memref<96x64xf32, #tpu.memory_space<vmem>>
      %dma_wait3A_260 = arith.constant 104 : i32
      %dma_wait3A_261 = tpu.memref_slice %arg5[%dma_wait3A_256, %dma_wait3A_260] : memref<128x200xi32, #tpu.memory_space<vmem>> -> memref<1x96xi32, #tpu.memory_space<vmem>>
      %dma_wait3A_262 = tpu.memref_squeeze %dma_wait3A_261 : memref<1x96xi32, #tpu.memory_space<vmem>> -> memref<96xi32, #tpu.memory_space<vmem>>
      %dma_wait3A_263 = arith.constant 0 : i32
      %dma_wait3A_264 = arith.constant 0 : i32
      %dma_wait3A_265 = tpu.memref_slice %arg3[%dma_wait3A_263, %dma_wait3A_264] : memref<1015808x64xf32, #tpu.memory_space<hbm>> -> memref<1015808x64xf32, #tpu.memory_space<hbm>>
      tpu.wait_indirect_dma semaphore(%arg14 : memref<!tpu.dma_semaphore, #tpu.memory_space<semaphore_mem>>) src(%dma_wait3A_265 : memref<1015808x64xf32, #tpu.memory_space<hbm>>) dst(%dma_wait3A_259 : memref<96x64xf32, #tpu.memory_space<vmem>>)
      %broadcast_in_dim3A_266 = arith.constant 0.000000e+00 : f32
      %broadcast_in_dim3A_267 = vector.broadcast %broadcast_in_dim3A_266 : f32 to vector<16xf32>
      %scan3A_268 = arith.constant 0 : i32
      %scan3A_269 = arith.constant 50 : i32
      %scan3A_270 = arith.addi %scan3A_268, %scan3A_269 : i32
      %scan3A_271 = arith.constant 1 : i32
      %scan3A_272:4 = scf.for %scan3A_294 = %scan3A_268 to %scan3A_270 step %scan3A_271 iter_args(%scan3A_295 = %broadcast_in_dim3A_267, %scan3A_296 = %broadcast_in_dim3A_267, %scan3A_297 = %broadcast_in_dim3A_267, %scan3A_298 = %broadcast_in_dim3A_267) -> (vector<16xf32>, vector<16xf32>, vector<16xf32>, vector<16xf32>)  : i32 {
        %mul3A_299 = arith.constant 4 : i32
        %mul3A_300 = arith.muli %scan3A_294, %mul3A_299 : i32
        %add3A_301 = arith.constant 0 : i32
        %add3A_302 = arith.addi %mul3A_300, %add3A_301 : i32
        %get3A = arith.index_cast %add3A_302 : i32 to index
        %get3A_303 = arith.constant 0 : index
        %get3A_304 = tpu.vector_load %arg9[%get3A, %get3A_303] {strides = array<i32>} : memref<200x64xf32, #tpu.memory_space<vmem>>, vector<1x16xf32>,
        %get3A_305 = vector.shape_cast %get3A_304 : vector<1x16xf32> to vector<16xf32>
        %add3A_306 = arith.addf %scan3A_295, %get3A_305 : vector<16xf32>
        %get3A_307 = arith.index_cast %add3A_302 : i32 to index
        %get3A_308 = arith.constant 16 : index
        %get3A_309 = tpu.vector_load %arg9[%get3A_307, %get3A_308] {strides = array<i32>} : memref<200x64xf32, #tpu.memory_space<vmem>>, vector<1x16xf32>,
        %get3A_310 = vector.shape_cast %get3A_309 : vector<1x16xf32> to vector<16xf32>
        %add3A_311 = arith.addf %scan3A_296, %get3A_310 : vector<16xf32>
        %get3A_312 = arith.index_cast %add3A_302 : i32 to index
        %get3A_313 = arith.constant 32 : index
        %get3A_314 = tpu.vector_load %arg9[%get3A_312, %get3A_313] {strides = array<i32>} : memref<200x64xf32, #tpu.memory_space<vmem>>, vector<1x16xf32>,
        %get3A_315 = vector.shape_cast %get3A_314 : vector<1x16xf32> to vector<16xf32>
        %add3A_316 = arith.addf %scan3A_297, %get3A_315 : vector<16xf32>
        %get3A_317 = arith.index_cast %add3A_302 : i32 to index
        %get3A_318 = arith.constant 48 : index
        %get3A_319 = tpu.vector_load %arg9[%get3A_317, %get3A_318] {strides = array<i32>} : memref<200x64xf32, #tpu.memory_space<vmem>>, vector<1x16xf32>,
        %get3A_320 = vector.shape_cast %get3A_319 : vector<1x16xf32> to vector<16xf32>
        %add3A_321 = arith.addf %scan3A_298, %get3A_320 : vector<16xf32>
        %mul3A_322 = arith.constant 4 : i32
        %mul3A_323 = arith.muli %scan3A_294, %mul3A_322 : i32
        %add3A_324 = arith.constant 1 : i32
        %add3A_325 = arith.addi %mul3A_323, %add3A_324 : i32
        %get3A_326 = arith.index_cast %add3A_325 : i32 to index
        %get3A_327 = arith.constant 0 : index
        %get3A_328 = tpu.vector_load %arg9[%get3A_326, %get3A_327] {strides = array<i32>} : memref<200x64xf32, #tpu.memory_space<vmem>>, vector<1x16xf32>,
        %get3A_329 = vector.shape_cast %get3A_328 : vector<1x16xf32> to vector<16xf32>
        %add3A_330 = arith.addf %add3A_306, %get3A_329 : vector<16xf32>
        %get3A_331 = arith.index_cast %add3A_325 : i32 to index
        %get3A_332 = arith.constant 16 : index
        %get3A_333 = tpu.vector_load %arg9[%get3A_331, %get3A_332] {strides = array<i32>} : memref<200x64xf32, #tpu.memory_space<vmem>>, vector<1x16xf32>,
        %get3A_334 = vector.shape_cast %get3A_333 : vector<1x16xf32> to vector<16xf32>
        %add3A_335 = arith.addf %add3A_311, %get3A_334 : vector<16xf32>
        %get3A_336 = arith.index_cast %add3A_325 : i32 to index
        %get3A_337 = arith.constant 32 : index
        %get3A_338 = tpu.vector_load %arg9[%get3A_336, %get3A_337] {strides = array<i32>} : memref<200x64xf32, #tpu.memory_space<vmem>>, vector<1x16xf32>,
        %get3A_339 = vector.shape_cast %get3A_338 : vector<1x16xf32> to vector<16xf32>
        %add3A_340 = arith.addf %add3A_316, %get3A_339 : vector<16xf32>
        %get3A_341 = arith.index_cast %add3A_325 : i32 to index
        %get3A_342 = arith.constant 48 : index
        %get3A_343 = tpu.vector_load %arg9[%get3A_341, %get3A_342] {strides = array<i32>} : memref<200x64xf32, #tpu.memory_space<vmem>>, vector<1x16xf32>,
        %get3A_344 = vector.shape_cast %get3A_343 : vector<1x16xf32> to vector<16xf32>
        %add3A_345 = arith.addf %add3A_321, %get3A_344 : vector<16xf32>
        %mul3A_346 = arith.constant 4 : i32
        %mul3A_347 = arith.muli %scan3A_294, %mul3A_346 : i32
        %add3A_348 = arith.constant 2 : i32
        %add3A_349 = arith.addi %mul3A_347, %add3A_348 : i32
        %get3A_350 = arith.index_cast %add3A_349 : i32 to index
        %get3A_351 = arith.constant 0 : index
        %get3A_352 = tpu.vector_load %arg9[%get3A_350, %get3A_351] {strides = array<i32>} : memref<200x64xf32, #tpu.memory_space<vmem>>, vector<1x16xf32>,
        %get3A_353 = vector.shape_cast %get3A_352 : vector<1x16xf32> to vector<16xf32>
        %add3A_354 = arith.addf %add3A_330, %get3A_353 : vector<16xf32>
        %get3A_355 = arith.index_cast %add3A_349 : i32 to index
        %get3A_356 = arith.constant 16 : index
        %get3A_357 = tpu.vector_load %arg9[%get3A_355, %get3A_356] {strides = array<i32>} : memref<200x64xf32, #tpu.memory_space<vmem>>, vector<1x16xf32>,
        %get3A_358 = vector.shape_cast %get3A_357 : vector<1x16xf32> to vector<16xf32>
        %add3A_359 = arith.addf %add3A_335, %get3A_358 : vector<16xf32>
        %get3A_360 = arith.index_cast %add3A_349 : i32 to index
        %get3A_361 = arith.constant 32 : index
        %get3A_362 = tpu.vector_load %arg9[%get3A_360, %get3A_361] {strides = array<i32>} : memref<200x64xf32, #tpu.memory_space<vmem>>, vector<1x16xf32>,
        %get3A_363 = vector.shape_cast %get3A_362 : vector<1x16xf32> to vector<16xf32>
        %add3A_364 = arith.addf %add3A_340, %get3A_363 : vector<16xf32>
        %get3A_365 = arith.index_cast %add3A_349 : i32 to index
        %get3A_366 = arith.constant 48 : index
        %get3A_367 = tpu.vector_load %arg9[%get3A_365, %get3A_366] {strides = array<i32>} : memref<200x64xf32, #tpu.memory_space<vmem>>, vector<1x16xf32>,
        %get3A_368 = vector.shape_cast %get3A_367 : vector<1x16xf32> to vector<16xf32>
        %add3A_369 = arith.addf %add3A_345, %get3A_368 : vector<16xf32>
        %mul3A_370 = arith.constant 4 : i32
        %mul3A_371 = arith.muli %scan3A_294, %mul3A_370 : i32
        %add3A_372 = arith.constant 3 : i32
        %add3A_373 = arith.addi %mul3A_371, %add3A_372 : i32
        %get3A_374 = arith.index_cast %add3A_373 : i32 to index
        %get3A_375 = arith.constant 0 : index
        %get3A_376 = tpu.vector_load %arg9[%get3A_374, %get3A_375] {strides = array<i32>} : memref<200x64xf32, #tpu.memory_space<vmem>>, vector<1x16xf32>,
        %get3A_377 = vector.shape_cast %get3A_376 : vector<1x16xf32> to vector<16xf32>
        %add3A_378 = arith.addf %add3A_354, %get3A_377 : vector<16xf32>
        %get3A_379 = arith.index_cast %add3A_373 : i32 to index
        %get3A_380 = arith.constant 16 : index
        %get3A_381 = tpu.vector_load %arg9[%get3A_379, %get3A_380] {strides = array<i32>} : memref<200x64xf32, #tpu.memory_space<vmem>>, vector<1x16xf32>,
        %get3A_382 = vector.shape_cast %get3A_381 : vector<1x16xf32> to vector<16xf32>
        %add3A_383 = arith.addf %add3A_359, %get3A_382 : vector<16xf32>
        %get3A_384 = arith.index_cast %add3A_373 : i32 to index
        %get3A_385 = arith.constant 32 : index
        %get3A_386 = tpu.vector_load %arg9[%get3A_384, %get3A_385] {strides = array<i32>} : memref<200x64xf32, #tpu.memory_space<vmem>>, vector<1x16xf32>,
        %get3A_387 = vector.shape_cast %get3A_386 : vector<1x16xf32> to vector<16xf32>
        %add3A_388 = arith.addf %add3A_364, %get3A_387 : vector<16xf32>
        %get3A_389 = arith.index_cast %add3A_373 : i32 to index
        %get3A_390 = arith.constant 48 : index
        %get3A_391 = tpu.vector_load %arg9[%get3A_389, %get3A_390] {strides = array<i32>} : memref<200x64xf32, #tpu.memory_space<vmem>>, vector<1x16xf32>,
        %get3A_392 = vector.shape_cast %get3A_391 : vector<1x16xf32> to vector<16xf32>
        %add3A_393 = arith.addf %add3A_369, %get3A_392 : vector<16xf32>
        scf.yield %add3A_378, %add3A_383, %add3A_388, %add3A_393 : vector<16xf32>, vector<16xf32>, vector<16xf32>, vector<16xf32>
      }
      %scan3A_273 = arith.constant 50 : i32
      %swap3A_274 = arith.index_cast %add3A_238 : i32 to index
      %swap3A_275 = arith.constant 0 : index
      %swap3A_276 = tpu.vector_load %arg10[%swap3A_274, %swap3A_275] {strides = array<i32>} : memref<128x64xf32, #tpu.memory_space<vmem>>, vector<1x16xf32>,
      %swap3A_277 = vector.shape_cast %swap3A_276 : vector<1x16xf32> to vector<16xf32>
      %swap3A_278 = vector.shape_cast %scan3A_272#0 : vector<16xf32> to vector<1x16xf32>
      tpu.vector_store %arg10[%swap3A_274, %swap3A_275], %swap3A_278 {strides = array<i32>} : memref<128x64xf32, #tpu.memory_space<vmem>>, vector<1x16xf32>,
      %swap3A_279 = arith.index_cast %add3A_238 : i32 to index
      %swap3A_280 = arith.constant 16 : index
      %swap3A_281 = tpu.vector_load %arg10[%swap3A_279, %swap3A_280] {strides = array<i32>} : memref<128x64xf32, #tpu.memory_space<vmem>>, vector<1x16xf32>,
      %swap3A_282 = vector.shape_cast %swap3A_281 : vector<1x16xf32> to vector<16xf32>
      %swap3A_283 = vector.shape_cast %scan3A_272#1 : vector<16xf32> to vector<1x16xf32>
      tpu.vector_store %arg10[%swap3A_279, %swap3A_280], %swap3A_283 {strides = array<i32>} : memref<128x64xf32, #tpu.memory_space<vmem>>, vector<1x16xf32>,
      %swap3A_284 = arith.index_cast %add3A_238 : i32 to index
      %swap3A_285 = arith.constant 32 : index
      %swap3A_286 = tpu.vector_load %arg10[%swap3A_284, %swap3A_285] {strides = array<i32>} : memref<128x64xf32, #tpu.memory_space<vmem>>, vector<1x16xf32>,
      %swap3A_287 = vector.shape_cast %swap3A_286 : vector<1x16xf32> to vector<16xf32>
      %swap3A_288 = vector.shape_cast %scan3A_272#2 : vector<16xf32> to vector<1x16xf32>
      tpu.vector_store %arg10[%swap3A_284, %swap3A_285], %swap3A_288 {strides = array<i32>} : memref<128x64xf32, #tpu.memory_space<vmem>>, vector<1x16xf32>,
      %swap3A_289 = arith.index_cast %add3A_238 : i32 to index
      %swap3A_290 = arith.constant 48 : index
      %swap3A_291 = tpu.vector_load %arg10[%swap3A_289, %swap3A_290] {strides = array<i32>} : memref<128x64xf32, #tpu.memory_space<vmem>>, vector<1x16xf32>,
      %swap3A_292 = vector.shape_cast %swap3A_291 : vector<1x16xf32> to vector<16xf32>
      %swap3A_293 = vector.shape_cast %scan3A_272#3 : vector<16xf32> to vector<1x16xf32>
      tpu.vector_store %arg10[%swap3A_289, %swap3A_290], %swap3A_293 {strides = array<i32>} : memref<128x64xf32, #tpu.memory_space<vmem>>, vector<1x16xf32>,
    }
    %scan3A_66 = arith.constant 32 : i32
    %mul3A_67 = arith.constant 128 : i32
    %mul3A_68 = arith.muli %add3A, %mul3A_67 : i32
    "tpu.region"() ({
      %run_scoped3A = tpu.sem_alloc : memref<!tpu.dma_semaphore, #tpu.memory_space<semaphore_mem>>
      %dma_start3A_69 = arith.constant 0 : i32
      %dma_start3A_70 = tpu.memref_slice %arg4[%mul3A_68, %dma_start3A_69] : memref<4096x64xf32, #tpu.memory_space<hbm>> -> memref<128x64xf32, #tpu.memory_space<hbm>>
      %dma_start3A_71 = arith.constant 0 : i32
      %dma_start3A_72 = tpu.memref_slice %arg4[%mul3A_68, %dma_start3A_71] : memref<4096x64xf32, #tpu.memory_space<hbm>> -> memref<128x64xf32, #tpu.memory_space<hbm>>
      tpu.enqueue_dma source(%arg10 : memref<128x64xf32, #tpu.memory_space<vmem>>) target(%dma_start3A_72 : memref<128x64xf32, #tpu.memory_space<hbm>>) target_semaphore(%run_scoped3A : memref<!tpu.dma_semaphore, #tpu.memory_space<semaphore_mem>>)
      %dma_wait3A = arith.constant 0 : i32
      %dma_wait3A_73 = tpu.memref_slice %arg4[%mul3A_68, %dma_wait3A] : memref<4096x64xf32, #tpu.memory_space<hbm>> -> memref<128x64xf32, #tpu.memory_space<hbm>>
      %dma_wait3A_74 = arith.constant 0 : i32
      %dma_wait3A_75 = tpu.memref_slice %arg4[%mul3A_68, %dma_wait3A_74] : memref<4096x64xf32, #tpu.memory_space<hbm>> -> memref<128x64xf32, #tpu.memory_space<hbm>>
      tpu.wait_dma2 semaphore(%run_scoped3A : memref<!tpu.dma_semaphore, #tpu.memory_space<semaphore_mem>>) src(%arg10 : memref<128x64xf32, #tpu.memory_space<vmem>>) dst(%dma_wait3A_75 : memref<128x64xf32, #tpu.memory_space<hbm>>)
      tpu.yield
    }) : () -> ()
    return
  }
}

module attributes {stable_mosaic.version = 14 : i64} {
  func.func @body(%arg0: i32, %arg1: memref<64x8192xf32, #tpu.memory_space<vmem>>, %arg2: memref<64x8192xf32, #tpu.memory_space<vmem>>, %arg3: memref<8192x128xf32, #tpu.memory_space<vmem>>) attributes {dimension_semantics = [#tpu.dimension_semantics<arbitrary>], iteration_bounds = array<i64: 62>, scalar_prefetch = 0 : i64, scratch_operands = 0 : i64, tpu.core_type = #tpu.core_type<tc>, window_params = [{transform_indices = @transform_0, window_bounds = array<i64: 64, 8192>}, {transform_indices = @transform_1, window_bounds = array<i64: 64, 8192>}, {transform_indices = @transform_2, window_bounds = array<i64: 8192, 128>}]} {
    %iota3A = tpu.iota {dimensions = array<i32: 0>} : vector<128x128xi32>
    %iota3A_0 = tpu.iota {dimensions = array<i32: 1>} : vector<128x128xi32>
    %eq3A = arith.cmpi eq, %iota3A, %iota3A_0 : vector<128x128xi32>
    %jit3A = arith.constant 1.000000e+00 : f32
    %jit3A_1 = arith.constant 0.000000e+00 : f32
    %broadcast_in_dim3A = vector.broadcast %jit3A : f32 to vector<128x128xf32>
    %broadcast_in_dim3A_2 = vector.broadcast %jit3A_1 : f32 to vector<128x128xf32>
    %select_n3A = arith.select %eq3A, %broadcast_in_dim3A, %broadcast_in_dim3A_2 : vector<128x128xi1>, vector<128x128xf32>
    %get3A = arith.constant 0 : index
    %get3A_3 = arith.constant 0 : index
    %get3A_4 = vector.load %arg1[%get3A, %get3A_3] : memref<64x8192xf32, #tpu.memory_space<vmem>>, vector<64x8192xf32>
    %get3A_5 = arith.constant 0 : index
    %get3A_6 = arith.constant 0 : index
    %get3A_7 = vector.load %arg2[%get3A_5, %get3A_6] : memref<64x8192xf32, #tpu.memory_space<vmem>>, vector<64x8192xf32>
    %concatenate3A = tpu.concatenate %get3A_4, %get3A_7 in 0 : vector<64x8192xf32>, vector<64x8192xf32> -> vector<128x8192xf32>
    %dot_general3A = arith.constant dense<0.000000e+00> : vector<8192x128xf32>
    %dot_general3A_8 = tpu.matmul %concatenate3A, %select_n3A, %dot_general3A {dimension_numbers = #tpu.dot_dimension_numbers<[0], [0], [1], [1], [0, 1, 1, 1], [], []>, transpose_lhs_hint = false} : vector<128x8192xf32>, vector<128x128xf32>, vector<8192x128xf32> -> vector<8192x128xf32>
    %swap3A = arith.constant 0 : index
    %swap3A_9 = arith.constant 0 : index
    %swap3A_10 = vector.load %arg3[%swap3A, %swap3A_9] : memref<8192x128xf32, #tpu.memory_space<vmem>>, vector<8192x128xf32>
    tpu.vector_store %arg3[%swap3A, %swap3A_9], %dot_general3A_8 {strides = array<i32>} : memref<8192x128xf32, #tpu.memory_space<vmem>>, vector<8192x128xf32>,
    return
  }
  func.func @transform_0(%arg0: i32) -> (i32, i32) {
    %mul3A = arith.constant 2 : i32
    %mul3A_0 = arith.muli %mul3A, %arg0 : i32
    %c0_i32 = arith.constant 0 : i32
    %c0_i32_1 = arith.constant 0 : i32
    return %c0_i32, %mul3A_0 : i32, i32
  }
  func.func @transform_1(%arg0: i32) -> (i32, i32) {
    %mul3A = arith.constant 2 : i32
    %mul3A_0 = arith.muli %mul3A, %arg0 : i32
    %add3A = arith.constant 1 : i32
    %add3A_1 = arith.addi %mul3A_0, %add3A : i32
    %min3A = arith.constant 121 : i32
    %min3A_2 = arith.minsi %add3A_1, %min3A : i32
    %c0_i32 = arith.constant 0 : i32
    %c0_i32_3 = arith.constant 0 : i32
    return %c0_i32, %min3A_2 : i32, i32
  }
  func.func @transform_2(%arg0: i32) -> (i32, i32) {
    %c0_i32 = arith.constant 0 : i32
    %c0_i32_0 = arith.constant 0 : i32
    return %arg0, %c0_i32 : i32, i32
  }
}

module attributes {stable_mosaic.version = 14 : i64} {
  func.func @body(%arg0: i32, %arg1: memref<512x64xf32, #tpu.memory_space<vmem>>, %arg2: memref<64x64xf32, #tpu.memory_space<vmem>>, %arg3: memref<1x64xf32, #tpu.memory_space<vmem>>, %arg4: memref<64x128xf32, #tpu.memory_space<vmem>>, %arg5: memref<1x128xf32, #tpu.memory_space<vmem>>, %arg6: memref<512x128xf32, #tpu.memory_space<vmem>>) attributes {dimension_semantics = [#tpu.dimension_semantics<arbitrary>], iteration_bounds = array<i64: 8>, scalar_prefetch = 0 : i64, scratch_operands = 0 : i64, tpu.core_type = #tpu.core_type<tc>, window_params = [{transform_indices = @transform_0, window_bounds = array<i64: 512, 64>}, {pipeline_mode = #tpu.pipeline_mode<synchronous>, transform_indices = @transform_1, window_bounds = array<i64: 64, 64>}, {pipeline_mode = #tpu.pipeline_mode<synchronous>, transform_indices = @transform_2, window_bounds = array<i64: 1, 64>}, {pipeline_mode = #tpu.pipeline_mode<synchronous>, transform_indices = @transform_3, window_bounds = array<i64: 64, 128>}, {pipeline_mode = #tpu.pipeline_mode<synchronous>, transform_indices = @transform_4, window_bounds = array<i64: 1, 128>}, {transform_indices = @transform_5, window_bounds = array<i64: 512, 128>}]} {
    %get3A = arith.constant 0 : index
    %get3A_0 = arith.constant 0 : index
    %get3A_1 = vector.load %arg1[%get3A, %get3A_0] : memref<512x64xf32, #tpu.memory_space<vmem>>, vector<512x64xf32>
    %get3A_2 = arith.constant 0 : index
    %get3A_3 = arith.constant 0 : index
    %get3A_4 = vector.load %arg2[%get3A_2, %get3A_3] : memref<64x64xf32, #tpu.memory_space<vmem>>, vector<64x64xf32>
    %dot_general3A = arith.constant dense<0.000000e+00> : vector<512x64xf32>
    %dot_general3A_5 = tpu.matmul %get3A_1, %get3A_4, %dot_general3A {dimension_numbers = #tpu.dot_dimension_numbers<[1], [0], [0], [1], [0, 0, 1, 1], [], []>, transpose_lhs_hint = false} : vector<512x64xf32>, vector<64x64xf32>, vector<512x64xf32> -> vector<512x64xf32>
    %get3A_6 = arith.constant 0 : index
    %get3A_7 = arith.constant 0 : index
    %get3A_8 = vector.load %arg3[%get3A_6, %get3A_7] : memref<1x64xf32, #tpu.memory_space<vmem>>, vector<1x64xf32>
    %add3A = vector.broadcast %get3A_8 : vector<1x64xf32> to vector<512x64xf32>
    %add3A_9 = arith.addf %dot_general3A_5, %add3A : vector<512x64xf32>
    %max3A = arith.constant 0.000000e+00 : f32
    %max3A_10 = vector.broadcast %max3A : f32 to vector<512x64xf32>
    %max3A_11 = arith.maximumf %add3A_9, %max3A_10 : vector<512x64xf32>
    %get3A_12 = arith.constant 0 : index
    %get3A_13 = arith.constant 0 : index
    %get3A_14 = vector.load %arg4[%get3A_12, %get3A_13] : memref<64x128xf32, #tpu.memory_space<vmem>>, vector<64x128xf32>
    %dot_general3A_15 = arith.constant dense<0.000000e+00> : vector<512x128xf32>
    %dot_general3A_16 = tpu.matmul %max3A_11, %get3A_14, %dot_general3A_15 {dimension_numbers = #tpu.dot_dimension_numbers<[1], [0], [0], [1], [0, 0, 1, 1], [], []>, transpose_lhs_hint = false} : vector<512x64xf32>, vector<64x128xf32>, vector<512x128xf32> -> vector<512x128xf32>
    %get3A_17 = arith.constant 0 : index
    %get3A_18 = arith.constant 0 : index
    %get3A_19 = vector.load %arg5[%get3A_17, %get3A_18] : memref<1x128xf32, #tpu.memory_space<vmem>>, vector<1x128xf32>
    %add3A_20 = vector.broadcast %get3A_19 : vector<1x128xf32> to vector<512x128xf32>
    %add3A_21 = arith.addf %dot_general3A_16, %add3A_20 : vector<512x128xf32>
    %swap3A = arith.constant 0 : index
    %swap3A_22 = arith.constant 0 : index
    %swap3A_23 = vector.load %arg6[%swap3A, %swap3A_22] : memref<512x128xf32, #tpu.memory_space<vmem>>, vector<512x128xf32>
    tpu.vector_store %arg6[%swap3A, %swap3A_22], %add3A_21 {strides = array<i32>} : memref<512x128xf32, #tpu.memory_space<vmem>>, vector<512x128xf32>,
    return
  }
  func.func @transform_0(%arg0: i32) -> (i32, i32) {
    %c0_i32 = arith.constant 0 : i32
    %c0_i32_0 = arith.constant 0 : i32
    return %arg0, %c0_i32 : i32, i32
  }
  func.func @transform_1(%arg0: i32) -> (i32, i32) {
    %c0_i32 = arith.constant 0 : i32
    %c0_i32_0 = arith.constant 0 : i32
    %c0_i32_1 = arith.constant 0 : i32
    return %c0_i32, %c0_i32_0 : i32, i32
  }
  func.func @transform_2(%arg0: i32) -> (i32, i32) {
    %c0_i32 = arith.constant 0 : i32
    %c0_i32_0 = arith.constant 0 : i32
    %c0_i32_1 = arith.constant 0 : i32
    return %c0_i32, %c0_i32_0 : i32, i32
  }
  func.func @transform_3(%arg0: i32) -> (i32, i32) {
    %c0_i32 = arith.constant 0 : i32
    %c0_i32_0 = arith.constant 0 : i32
    %c0_i32_1 = arith.constant 0 : i32
    return %c0_i32, %c0_i32_0 : i32, i32
  }
  func.func @transform_4(%arg0: i32) -> (i32, i32) {
    %c0_i32 = arith.constant 0 : i32
    %c0_i32_0 = arith.constant 0 : i32
    %c0_i32_1 = arith.constant 0 : i32
    return %c0_i32, %c0_i32_0 : i32, i32
  }
  func.func @transform_5(%arg0: i32) -> (i32, i32) {
    %c0_i32 = arith.constant 0 : i32
    %c0_i32_0 = arith.constant 0 : i32
    return %arg0, %c0_i32 : i32, i32
  }
}

</mosaic_0001>

<sc_bundles>
// kernel: kernel.5.cloned.1.call-start
scs
__scs_entry_jumppad:
0x0: {  	(pc) =	sbr.rel $0x88, $3  }
0x1: {  	(tag) =	ssettag $0x0;
	lr =	simm.s32 $0x1  }
0x2: {  	[smem:$0x3F9B] =	sst lr;
	_ =	strace $0xD0000000  }
0x3: {  	_ = 	snop  }
0x4: {  	_ = 	snop  }
0x5: {  	_ = 	snop  }
0x6: {  	_ = 	snop  }
0x7: {  	_ = 	snop  }
__scs_overlays_trampoline_lowered:
0x8: {  	[smem:$0x3FAA] =	sst s0  }
0x9: {  	[smem:$0x3FAB] =	sst s1  }
0xa: {  	[smem:$0x3FAC] =	sst s2  }
0xb: {  	[smem:$0x3FAD] =	sst s3  }
0xc: {  	[smem:$0x3FAE] =	sst s4  }
0xd: {  	[smem:$0x3FAF] =	sst s5  }
0xe: {  	[smem:$0x3FB0] =	sst s6  }
0xf: {  	[smem:$0x3FB1] =	sst s7  }
0x10: {  	[smem:$0x3FB2] =	sst s8  }
0x11: {  	[smem:$0x3FB3] =	sst s9;
	s0 =	simm.s32 @!p0 $0x0  }
0x12: {  	s1 =	sld [smem:$0x3F99];
	s0 =	simm.s32 @p0 $0x1  }
0x13: {  	[smem:$0x3FB4] =	sst s0;
	s0 =	simm.s32 @!p1 $0x0  }
0x14: {  	s2 =	sld [smem:$0x3F98];
	s0 =	simm.s32 @p1 $0x1  }
0x15: {  	[smem:$0x3FB5] =	sst s0;
	s0 =	simm.s32 @!p2 $0x0  }
0x16: {  	s3 =	sld [smem:$0x3FDB];
	s0 =	simm.s32 @p2 $0x1  }
0x17: {  	s4 =	simm.s32 $0x1BF5;
	[smem:$0x3FB7] =	sst s0  }
0x18: {  	s0 =	sld [smem:$0x3F9A];
	_ =	swait.ge [sflag:s4], $0x0  }
0x19: {  	s7 =	sld [smem:$0x3F9B]  }
0x1a: {  	s8 =	sadd.s32 $0xFFFFE003, lr  }
0x1b: {  	s9 =	sadd.s32 $0xFFFFFEF7, lr;
	s5 =	simm.s32 $0xFFFFFFFF;
	p2 =	slt.u32 s8, $0xFFFFF086  }
0x1c: {  	p1 =	slt.u32 s9, $0xF7A;
	s5 =	simm.s32 @!p2 $0x0  }
0x1d: {  	s5 =	simm.s32 @p1 $0x1;
	p0 =	seq.s32 s7, s2  }
0x1e: {  	s7 =	smul.u32 @!p0 $0xF7A, s2;
	p2 =	seq.s32 @!p0 s5, $0x0  }
0x1f: {  	s9 =	smul.u32 $0xF7A, s1;
	s8 =	simm.s32 @!p0 $0x1BF5;
	p2 =	por !p2, p0  }
0x20: {  	[sflag:s8] =	ssyncset.s32 @!p0 $0xFFFFF086;
	s6 =	sadd.s32 @!p0 s3, s7;
	s7 =	simm.s32 @!p0 $0x108  }
0x21: {  	s3 =	sadd.s32 s3, s9;
	s6 =	sadd.s32 @!p0 $0x88, s6;
	s7 =	simm.s32 @p2 $0x1082  }
0x22: {  	[simem:s7], [sflag:s8] =	dma.local @!p0 [hbm:s6], $0xF7A  }
0x23: {  	s9 =	sor.u32 $0xD0000000, s2;
	s6 =	simm.s32 $0x108;
	_ =	swait.ge @!p0 [sflag:s8], $0x0  }
0x24: {  	s3 =	sadd.s32 $0x88, s3;
	s6 =	simm.s32 @!p1 $0x1082;
	[sflag:s4] =	ssyncset.s32 $0xFFFFF086  }
0x25: {  	[simem:s6], [sflag:s4] =	dma.local [hbm:s3], $0xF7A  }
0x26: {  	[smem:$0x3F9B] =	sst s1;
	(tag) =	ssettag s2;
	_ =	strace s9  }
0x27: {  	s1 =	sld [smem:$0x3FAB]  }
0x28: {  	s2 =	sld [smem:$0x3FAC]  }
0x29: {  	s4 =	sld [smem:$0x3FAE]  }
0x2a: {  	p0 =	seq.s32 s5, $0x0;
	s5 =	sld [smem:$0x3FAF]  }
0x2b: {  	s6 =	sld [smem:$0x3FB0]  }
0x2c: {  	s7 =	sld [smem:$0x3FB1]  }
0x2d: {  	s3 =	simm.s32 $0x108;
	s8 =	sld [smem:$0x3FB2]  }
0x2e: {  	s3 =	simm.s32 @!p0 $0x1082;
	s9 =	sld [smem:$0x3FB3]  }
0x2f: {  	lr =	sadd.s32 s0, s3;
	s0 =	sld [smem:$0x3FAA]  }
0x30: {  	s3 =	sld [smem:$0x3FAD]  }
0x31: {  	[smem:$0x3FB6] =	sst s10  }
0x32: {  	s10 =	sld [smem:$0x3FB4];
	_ =	sdelay $0x3  }
0x33: {  	p0 =	seq.s32 s10, $0x1;
	s10 =	sld [smem:$0x3FB6];
	_ =	sdelay $0x3  }
0x34: {  	[smem:$0x3FB6] =	sst s10  }
0x35: {  	s10 =	sld [smem:$0x3FB5];
	_ =	sdelay $0x3  }
0x36: {  	p1 =	seq.s32 s10, $0x1;
	s10 =	sld [smem:$0x3FB6];
	_ =	sdelay $0x3  }
0x37: {  	[smem:$0x3FB6] =	sst s10  }
0x38: {  	s10 =	sld [smem:$0x3FB7]  }
0x39: {  	_ = 	snop;
	(pc) =	sbr.ind lr, $3  }
0x3a: {  	_ = 	snop  }
0x3b: {  	_ = 	snop  }
0x3c: {  	p2 =	seq.s32 s10, $0x1;
	s10 =	sld [smem:$0x3FB6]  }
0x3d: {  	_ =	shalt  }
0x3e: {  	_ =	shalt  }
0x3f: {  	_ =	shalt  }
0x40: {  	_ =	shalt  }
0x41: {  	_ =	shalt  }
0x42: {  	_ =	shalt  }
0x43: {  	_ =	shalt  }
0x44: {  	_ =	shalt  }
0x45: {  	_ =	shalt  }
0x46: {  	_ =	shalt  }
0x47: {  	_ =	shalt  }
0x48: {  	_ =	shalt  }
0x49: {  	_ =	shalt  }
0x4a: {  	_ =	shalt  }
0x4b: {  	_ =	shalt  }
0x4c: {  	_ =	shalt  }
0x4d: {  	_ =	shalt  }
0x4e: {  	_ =	shalt  }
0x4f: {  	_ =	shalt  }
0x50: {  	_ =	shalt  }
0x51: {  	_ =	shalt  }
0x52: {  	_ =	shalt  }
0x53: {  	_ =	shalt  }
0x54: {  	_ =	shalt  }
0x55: {  	_ =	shalt  }
0x56: {  	_ =	shalt  }
0x57: {  	_ =	shalt  }
0x58: {  	_ =	shalt  }
0x59: {  	_ =	shalt  }
0x5a: {  	_ =	shalt  }
0x5b: {  	_ =	shalt  }
0x5c: {  	_ =	shalt  }
0x5d: {  	_ =	shalt  }
0x5e: {  	_ =	shalt  }
0x5f: {  	_ =	shalt  }
0x60: {  	_ =	shalt  }
0x61: {  	_ =	shalt  }
0x62: {  	_ =	shalt  }
0x63: {  	_ =	shalt  }
0x64: {  	_ =	shalt  }
0x65: {  	_ =	shalt  }
0x66: {  	_ =	shalt  }
0x67: {  	_ =	shalt  }
0x68: {  	_ =	shalt  }
0x69: {  	_ =	shalt  }
0x6a: {  	_ =	shalt  }
0x6b: {  	_ =	shalt  }
0x6c: {  	_ =	shalt  }
0x6d: {  	_ =	shalt  }
0x6e: {  	_ =	shalt  }
0x6f: {  	_ =	shalt  }
0x70: {  	_ =	shalt  }
0x71: {  	_ =	shalt  }
0x72: {  	_ =	shalt  }
0x73: {  	_ =	shalt  }
0x74: {  	_ =	shalt  }
0x75: {  	_ =	shalt  }
0x76: {  	_ =	shalt  }
0x77: {  	_ =	shalt  }
0x78: {  	_ =	shalt  }
0x79: {  	_ =	shalt  }
0x7a: {  	_ =	shalt  }
0x7b: {  	_ =	shalt  }
0x7c: {  	_ =	shalt  }
0x7d: {  	_ =	shalt  }
0x7e: {  	_ =	shalt  }
0x7f: {  	_ =	shalt  }
0x80: {  	_ =	shalt  }
0x81: {  	_ =	shalt  }
0x82: {  	_ =	shalt  }
0x83: {  	_ =	shalt  }
0x84: {  	_ =	shalt  }
0x85: {  	_ =	shalt  }
0x86: {  	_ =	shalt  }
0x87: {  	_ =	shalt  }
.Lfunc_end0:
.L_simem_size_0:
called_computation_lowered:
.L_overlay_start_0:
0x88: {  	s2 =	sld [smem:$0x3FD9]  }
0x89: {  	s3 =	sld [smem:$0x3FFE];
	_ =	sdelay $0x1  }
0x8a: {  	s1 =	srdreg.scid  }
0x8b: {  	s0 =	sand.u32 $0x1, s1  }
0x8c: {  	s17 =	sshll.u32 s0, $0xA;
	s2 =	sadd.s32 s3, s2  }
0x8d: {  	s2 =	sadd.s32 s2, s17  }
0x8e: {  	[smem:$0x3FC2] =	sst s2  }
0x8f: {  	_ = 	snop  }
0x90: {  	s2 =	sld [smem:$0x3FD0];
	(tm) =	ssettm $0x1  }
0x91: {  	s18 =	sld [smem:$0x3FFB];
	_ =	sdelay $0x3  }
0x92: {  	_ =	strace s18  }
0x93: {  	s3 =	sld [smem:$0x3FFC];
	_ =	sdelay $0x3  }
0x94: {  	_ =	strace s3  }
0x95: {  	s3 =	sld [smem:$0x3FFD];
	_ =	sdelay $0x3  }
0x96: {  	_ =	strace s3  }
0x97: {  	_ =	strace $0x8FFFFFFF  }
0x98: {  	s19 =	sld [smem:$0x3FDB];
	_ =	sdelay $0x1  }
0x99: {  	s4 =	simm.s32 $_scs_section_size  }
0x9a: {  	s5 =	simm.s32 $_size__tile_overlayer_lowered;
	s6 =	simm.s32 $_tile_overlayer_lowered  }
0x9b: {  	s22 =	simm.s32 $0x1BFF;
	s21 =	sshll.u32 s6, $0x1;
	s3 =	sadd.s32 s4, s19  }
0x9c: {  	s7 =	simm.s32 $0x0;
	s20 =	sshll.u32 s5, $0x1;
	s5 =	sadd.s32 s21, s3  }
0x9d: {  	[timem:s7], [sflag:s22] =	dma.local [hbm:s5], s20  }
0x9e: {  	_ =	swait.ge [sflag:s22], s20  }
0x9f: {  	s4 =	ssub.s32 $0x0, s20;
	[sflag:s22] =	ssyncset.done $0x0  }
0xa0: {  	[sflag:s22] =	ssyncadd.s32 s4;
	_ =	sdelay $0x1  }
0xa1: {  	s23 =	simm.s32 $0x1B8B  }
0xa2: {  	_ =	swait.ge [sflag:s23], $0x1  }
0xa3: {  	[sflag:s23] =	ssyncset.done $0x0  }
0xa4: {  	s25 =	simm.s32 $0x1B8E;
	s24 =	sld [smem:$0x3FFE];
	[sflag:s23] =	ssyncadd.s32 $0xFFFFFFFF  }
0xa5: {  	s26 =	simm.s32 $execute0_lowered;
	[smem:$0x3FD2] =	sst s25  }
0xa6: {  	s5 =	sshll.u32 s26, $0x1;
	_ =	strace $0x80000046;
	[dreg:$0x1] =	wrdreg $0xFFFFFFFF  }
0xa7: {  	s28 =	simm.s32 $_size_execute0_lowered;
	s3 =	sadd.s32 s3, s5;
	[dreg:$0x0] =	wrdreg $0x0  }
0xa8: {  	s5 =	sshll.u32 s28, $0x1;
	[dreg:$0x2] =	wrdreg s3  }
0xa9: {  	[dreg:$0x3] =	wrdreg s5  }
0xaa: {  	[dreg:$0x4] =	wrdreg $0xC0  }
0xab: {  	_ =	task [dreg:s7], $0x5FFFF  }
0xac: {  	[dreg:$0x1] =	wrdreg $0xFFFFFFFF  }
0xad: {  	[dreg:$0x0] =	wrdreg $0x60  }
0xae: {  	[dreg:$0x2] =	wrdreg s24  }
0xaf: {  	[dreg:$0x3] =	wrdreg s2  }
0xb0: {  	[dreg:$0x4] =	wrdreg $0x9  }
0xb1: {  	_ =	task.clear_ibuf [dreg:s7], $0x5FFFF;
	_ =	strace $0x90000046  }
0xb2: {  	s29 =	simm.s32 $0x9;
	_ =	strace $0x80000048  }
0xb3: {  	_ =	swait.ge [sflag:s29], $0x1  }
0xb4: {  	[sflag:s29] =	ssyncadd.s32 $0xFFFFFFFF  }
0xb5: {  	_ =	strace $0x90000048  }
0xb6: {  	_ =	sfence  }
0xb7: {  	s30 =	sld [smem:$0x0];
	_ =	sdelay $0x2  }
0xb8: {  	s31 =	sshll.u32 s1, $0xD;
	s1 =	sshrl.u32 s1, $0x2  }
0xb9: {  	s3 =	sand.u32 $0x4000, s31;
	s1 =	sadd.s32 s1, s30  }
0xba: {  	s0 =	sor.u32 s3, s0;
	s1 =	sshll.u32 s1, $0x11  }
0xbb: {  	s0 =	sor.u32 s1, s0  }
0xbc: {  	s0 =	sadd.s32 $0x8F2B, s0  }
0xbd: {  	[sflag:s0] =	ssyncadd.remote.s32 $0x1  }
0xbe: {  	_ =	sfence.sel $0xFFFF  }
0xbf: {  	[dreg:$0x0] =	wrdreg $0xFFFFFFFF;
	(pc) =	sbr.abs _section_cstart, $3  }
0xc0: {  	[dreg:$0x1] =	wrdreg $0xFFFFFFFF  }
0xc1: {  	_ =	task.clear_ibuf [dreg:s7], $0x2FFFF;
	_ =	strace $0x9FFFFFFF  }
0xc2: {  	(tm) =	ssettm $0x7FFFFFFF  }
0xc3: {  	_ =	shalt  }
tec
execute0_lowered:
.L_overlay_start_1:
0x0: {  	(tag) =	ssettag $0x1  }
0x1: {  	s0 =	srdreg.scid;
	s1 =	rddreg [dreg:$0x0]  }
0x2: {  	s3 =	stileid.u32;
	s5 =	rddreg [dreg:$0x1]  }
0x3: {  	s8 =	simm.s32 $0x68;
	s10 =	simm.s32 $0x60;
	s12 =	simm.s32 $0xC8  }
0x4: {  	s13 =	simm.s32 $0x9600;
	s14 =	simm.s32 $0x130;
	s15 =	simm.s32 $0xB000  }
0x5: {  	s16 =	simm.s32 $0x190;
	s17 =	simm.s32 $0xC800;
	s18 =	simm.s32 $0x1F8  }
0x6: {  	s19 =	simm.s32 $0xE200;
	s20 =	simm.s32 $0xFA00;
	s21 =	simm.s32 $0x11400  }
0x7: {  	s22 =	simm.s32 $0x1;
	s23 =	simm.s32 $0x2;
	s24 =	simm.s32 $0x3  }
0x8: {  	s25 =	simm.s32 $0x4;
	s26 =	simm.s32 $0x12C00;
	s0 =	sand.u32 $0x1, s0  }
0x9: {  	s28 =	simm.s32 $0x0;
	s3 =	sshll.u32 s3, $0x7;
	s2 =	sshll.u32 s0, $0xB  }
0xa: {  	s0 =	ssub.s32 $0x2, s0;
	s4 =	sor.u32 s3, s2;
	s2 =	simm.s32 $0x0  }
0xb: {  	s7 =	sshrl.u32 s0, $0x1;
	s3 =	smul.u32 $0x19, s4;
	[smem:$0x7FF] =	sst s2  }
0xc: {  	s0 =	ssub.s32 s0, s7;
	s31 =	sshll.u32 s4, $0x3;
	s7 =	simm.s32 $0x5  }
0xd: {  	_ =	strace $0x80000047;
	s5 =	sadd.s32 s5, s31;
	s6 =	sadd.s32 s3, s1  }
0xe: {  	s3 =	sadd.s32 $0x19C00, s1;
	s4 =	sadd.s32 $0xC00, s6;
	s6 =	smax.u32 s0, $0x1  }
.LBB2_1:
0xf: {  	[tilespmem:s2], [sflag:$0x5] =	stream.linear.gather [hbm4b:s4+s2], $0x6400, $0x38;
	[tilespmem:$0x14C00] =	vst v63  }
0x10: {  	_ =	swait.ge [sflag:s7], $0x6400  }
0x11: {  	[sflag:s7] =	ssyncset.done $0x0  }
0x12: {  	s0 =	simm.s32 $0x6400;
	[sflag:s7] =	ssyncadd.s32 $0xFFFF9C00  }
0x13: {  	[tilespmem:s0], [sflag:$0x1] =	stream.indirect.gather [hbm4b:s3+s8], $0x40, s2, s8, $0xb8;
	[tilespmem:$0x14C00] =	vst v63  }
0x14: {  	s31 =	simm.s32 $0x7E00  }
0x15: {  	[tilespmem:s31], [sflag:$0x1] =	stream.indirect.gather [hbm4b:s3+s10], $0x40, s8, s10, $0xb8;
	[tilespmem:$0x14C00] =	vst v63  }
0x16: {  	_ = 	snop  }
0x17: {  	[tilespmem:s13], [sflag:$0x2] =	stream.indirect.gather [hbm4b:s3+s8], $0x40, s12, s8, $0xb8;
	[tilespmem:$0x14C00] =	vst v63  }
0x18: {  	_ = 	snop  }
0x19: {  	[tilespmem:s15], [sflag:$0x2] =	stream.indirect.gather [hbm4b:s3+s10], $0x40, s14, s10, $0xb8;
	[tilespmem:$0x14C00] =	vst v63  }
0x1a: {  	_ = 	snop  }
0x1b: {  	[tilespmem:s17], [sflag:$0x3] =	stream.indirect.gather [hbm4b:s3+s8], $0x40, s16, s8, $0xb8;
	[tilespmem:$0x14C00] =	vst v63  }
0x1c: {  	s29 =	simm.s32 $0x0  }
0x1d: {  	[tilespmem:s19], [sflag:$0x3] =	stream.indirect.gather [hbm4b:s3+s10], $0x40, s18, s10, $0xb8;
	[tilespmem:$0x14C00] =	vst v63  }
.LBB2_2:
0x1e: {  	s30 =	sshllo.u32 s29, $0x2  }
0x1f: {  	s0 =	smul.u32 $0x320, s30;
	_ =	sdelay $0x1  }
0x20: {  	s0 =	sshra.s32 s0, $0x2  }
0x21: {  	[tilespmem:s20], [sflag:$0x4] =	stream.indirect.gather [hbm4b:s3+s8], $0x40, s0, s8, $0xb8;
	[tilespmem:$0x14C00] =	vst v63  }
0x22: {  	s0 =	sadd.s32 $0x68, s0  }
0x23: {  	[tilespmem:s21], [sflag:$0x4] =	stream.indirect.gather [hbm4b:s3+s10], $0x40, s0, s10, $0xb8;
	[tilespmem:$0x14C00] =	vst v63  }
0x24: {  	_ =	swait.ge [sflag:s22], $0x1A00  }
0x25: {  	[sflag:s22] =	ssyncset.done $0x0  }
0x26: {  	[sflag:s22] =	ssyncadd.s32 $0xFFFFE600  }
0x27: {  	_ =	swait.ge [sflag:s22], $0x1800  }
0x28: {  	[sflag:s22] =	ssyncset.done $0x0  }
0x29: {  	s1 =	simm.s32 $0x0;
	[sflag:s22] =	ssyncadd.s32 $0xFFFFE800  }
0x2a: {  	v0 =	vld [tilespmem:s1+$0x64C0]  }
0x2b: {  	v1 =	vld [tilespmem:s1+$0x64D0]  }
0x2c: {  	v2 =	vld [tilespmem:s1+$0x6480]  }
0x2d: {  	v3 =	vld [tilespmem:s1+$0x6490]  }
0x2e: {  	v4 =	vld [tilespmem:s1+$0x6440]  }
0x2f: {  	v5 =	vld [tilespmem:s1+$0x6450]  }
0x30: {  	v10 =	vld [tilespmem:s1+$0x6400]  }
0x31: {  	v6 =	vimm.f32 $0.0e+00;
	v12 =	vld [tilespmem:s1+$0x6410]  }
0x32: {  	v9 =	vimm.f32 $0.0e+00;
	v8 =	vimm.f32 $0.0e+00;
	v7 =	vimm.f32 $0.0e+00;
	s0 =	simm.s32 $0x400;
	v11 =	vld [tilespmem:s1+$0x6420]  }
.LBB2_3:
0x33: {  	p0 =	sne.s32 s0, $0xC400;
	v13 =	vld [tilespmem:s1+$0x6430]  }
0x34: {  	v14 =	vld [tilespmem:s1+$0x6460]  }
0x35: {  	v15 =	vld [tilespmem:s1+$0x6470]  }
0x36: {  	v16 =	vld [tilespmem:s1+$0x64A0]  }
0x37: {  	v6 =	vadd.f32 v10, v6;
	v9 =	vadd.f32 v12, v9;
	v10 =	vld [tilespmem:s1+$0x64B0]  }
0x38: {  	v8 =	vadd.f32 v11, v8;
	v7 =	vadd.f32 v13, v7;
	v11 =	vld [tilespmem:s1+$0x64E0]  }
0x39: {  	v4 =	vadd.f32 v4, v6;
	v5 =	vadd.f32 v5, v9;
	v12 =	vld [tilespmem:s1+$0x64F0];
	s1 =	sshra.s32 s0, $0x2  }
0x3a: {  	v6 =	vadd.f32 v14, v8;
	v13 =	vld [tilespmem:s1+$0x64C0];
	v7 =	vadd.f32 v15, v7  }
0x3b: {  	v4 =	vadd.f32 v2, v4;
	v5 =	vadd.f32 v3, v5;
	v14 =	vld [tilespmem:s1+$0x64D0]  }
0x3c: {  	v8 =	vadd.f32 v16, v6;
	v2 =	vld [tilespmem:s1+$0x6480];
	v7 =	vadd.f32 v10, v7  }
0x3d: {  	v6 =	vadd.f32 v0, v4;
	v9 =	vadd.f32 v1, v5;
	v3 =	vld [tilespmem:s1+$0x6490]  }
.Ltmp0:
0x3e: {  	v8 =	vadd.f32 v11, v8;
	v4 =	vld [tilespmem:s1+$0x6440];
	v7 =	vadd.f32 v12, v7;
	(pc) =	sbr.rel @p0 .LBB2_3-.Ltmp0, $4  }
0x3f: {  	v5 =	vld [tilespmem:s1+$0x6450];
	v0 =	vmov v13  }
0x40: {  	v10 =	vld [tilespmem:s1+$0x6400];
	v1 =	vmov v14  }
0x41: {  	v12 =	vld [tilespmem:s1+$0x6410]  }
0x42: {  	s0 =	sadd.s32 $0x400, s0;
	v11 =	vld [tilespmem:s1+$0x6420]  }
0x43: {  	v13 =	vld [tilespmem:s1+$0x6430]  }
0x44: {  	v14 =	vld [tilespmem:s1+$0x6460]  }
0x45: {  	v15 =	vld [tilespmem:s1+$0x6470];
	v6 =	vadd.f32 v10, v6  }
0x46: {  	v10 =	vld [tilespmem:s1+$0x64A0];
	v9 =	vadd.f32 v12, v9  }
0x47: {  	v12 =	vld [tilespmem:s1+$0x64B0];
	v8 =	vadd.f32 v11, v8;
	v4 =	vadd.f32 v4, v6  }
0x48: {  	v6 =	vadd.f32 v13, v7;
	v7 =	vld [tilespmem:s1+$0x64E0];
	v5 =	vadd.f32 v5, v9  }
0x49: {  	v9 =	vld [tilespmem:s1+$0x64F0];
	v8 =	vadd.f32 v14, v8;
	v2 =	vadd.f32 v2, v4  }
0x4a: {  	v4 =	vadd.f32 v15, v6;
	v3 =	vadd.f32 v3, v5  }
0x4b: {  	s0 =	sshll.u32 s29, $0x8;
	v5 =	vadd.f32 v10, v8;
	v0 =	vadd.f32 v0, v2  }
0x4c: {  	p0 =	seq.s32 s29, $0x1F;
	s31 =	sand.u32 $0x3FFFFF00, s0;
	v2 =	vadd.f32 v12, v4;
	v1 =	vadd.f32 v1, v3  }
0x4d: {  	s0 =	smul.u32 @!p0 $0xC80, s29;
	v3 =	vadd.f32 v7, v5;
	[tilespmem:s31+$0x12C00] =	vst v0  }
0x4e: {  	v0 =	vadd.f32 v9, v2;
	[tilespmem:s31+$0x12C10] =	vst v1  }
0x4f: {  	s1 =	sshra.s32 @!p0 s0, $0x2;
	[tilespmem:s31+$0x12C20] =	vst v3  }
0x50: {  	s9 =	simm.s32 @!p0 $0x68;
	s11 =	simm.s32 @!p0 $0x6400;
	s0 =	sadd.s32 @!p0 $0x320, s1;
	[tilespmem:s31+$0x12C30] =	vst v0  }
0x51: {  	[tilespmem:s11], [sflag:$0x1] =	stream.indirect.gather @!p0 [hbm4b:s3+s9], $0x40, s0, s9, $0xb8;
	[tilespmem:$0x14C00] =	vst v63  }
0x52: {  	s0 =	sadd.s32 @!p0 $0x388, s1;
	s9 =	simm.s32 @!p0 $0x60;
	s11 =	simm.s32 @!p0 $0x7E00  }
0x53: {  	[tilespmem:s11], [sflag:$0x1] =	stream.indirect.gather @!p0 [hbm4b:s3+s9], $0x40, s0, s9, $0xb8;
	[tilespmem:$0x14C00] =	vst v63  }
0x54: {  	_ =	swait.ge [sflag:s23], $0x1A00  }
0x55: {  	[sflag:s23] =	ssyncset.done $0x0  }
0x56: {  	[sflag:s23] =	ssyncadd.s32 $0xFFFFE600  }
0x57: {  	_ =	swait.ge [sflag:s23], $0x1800  }
0x58: {  	[sflag:s23] =	ssyncset.done $0x0  }
0x59: {  	s0 =	simm.s32 $0x0;
	[sflag:s23] =	ssyncadd.s32 $0xFFFFE800  }
0x5a: {  	v0 =	vld [tilespmem:s0+$0x96C0]  }
0x5b: {  	v1 =	vld [tilespmem:s0+$0x96D0]  }
0x5c: {  	v2 =	vld [tilespmem:s0+$0x9680]  }
0x5d: {  	v3 =	vld [tilespmem:s0+$0x9690]  }
0x5e: {  	v4 =	vld [tilespmem:s0+$0x9640]  }
0x5f: {  	v5 =	vld [tilespmem:s0+$0x9650]  }
0x60: {  	v10 =	vld [tilespmem:s0+$0x9600]  }
0x61: {  	v6 =	vimm.f32 $0.0e+00;
	v12 =	vld [tilespmem:s0+$0x9610]  }
0x62: {  	v8 =	vimm.f32 $0.0e+00;
	v7 =	vimm.f32 $0.0e+00;
	v9 =	vimm.f32 $0.0e+00;
	s9 =	simm.s32 $0x400;
	v11 =	vld [tilespmem:s0+$0x9620]  }
.LBB2_5:
0x63: {  	p1 =	sne.s32 s9, $0xC400;
	v13 =	vld [tilespmem:s0+$0x9630]  }
0x64: {  	v14 =	vld [tilespmem:s0+$0x9660]  }
0x65: {  	v15 =	vld [tilespmem:s0+$0x9670]  }
0x66: {  	v16 =	vld [tilespmem:s0+$0x96A0]  }
0x67: {  	v6 =	vadd.f32 v10, v6;
	v9 =	vadd.f32 v12, v9;
	v10 =	vld [tilespmem:s0+$0x96B0]  }
0x68: {  	v8 =	vadd.f32 v11, v8;
	v7 =	vadd.f32 v13, v7;
	v11 =	vld [tilespmem:s0+$0x96E0]  }
0x69: {  	v4 =	vadd.f32 v4, v6;
	v5 =	vadd.f32 v5, v9;
	v12 =	vld [tilespmem:s0+$0x96F0];
	s0 =	sshra.s32 s9, $0x2  }
0x6a: {  	v6 =	vadd.f32 v14, v8;
	v13 =	vld [tilespmem:s0+$0x96C0];
	v7 =	vadd.f32 v15, v7  }
0x6b: {  	v4 =	vadd.f32 v2, v4;
	v5 =	vadd.f32 v3, v5;
	v14 =	vld [tilespmem:s0+$0x96D0]  }
0x6c: {  	v8 =	vadd.f32 v16, v6;
	v2 =	vld [tilespmem:s0+$0x9680];
	v7 =	vadd.f32 v10, v7  }
0x6d: {  	v6 =	vadd.f32 v0, v4;
	v9 =	vadd.f32 v1, v5;
	v3 =	vld [tilespmem:s0+$0x9690]  }
.Ltmp1:
0x6e: {  	v8 =	vadd.f32 v11, v8;
	v4 =	vld [tilespmem:s0+$0x9640];
	v7 =	vadd.f32 v12, v7;
	(pc) =	sbr.rel @p1 .LBB2_5-.Ltmp1, $4  }
0x6f: {  	v5 =	vld [tilespmem:s0+$0x9650];
	v0 =	vmov v13  }
0x70: {  	v10 =	vld [tilespmem:s0+$0x9600];
	v1 =	vmov v14  }
0x71: {  	v12 =	vld [tilespmem:s0+$0x9610]  }
0x72: {  	s9 =	sadd.s32 $0x400, s9;
	v11 =	vld [tilespmem:s0+$0x9620]  }
0x73: {  	v13 =	vld [tilespmem:s0+$0x9630]  }
0x74: {  	v14 =	vld [tilespmem:s0+$0x9660]  }
0x75: {  	v15 =	vld [tilespmem:s0+$0x9670];
	v6 =	vadd.f32 v10, v6  }
0x76: {  	v10 =	vld [tilespmem:s0+$0x96A0];
	v9 =	vadd.f32 v12, v9  }
0x77: {  	v12 =	vld [tilespmem:s0+$0x96B0];
	v8 =	vadd.f32 v11, v8;
	v4 =	vadd.f32 v4, v6  }
0x78: {  	v6 =	vadd.f32 v13, v7;
	v7 =	vld [tilespmem:s0+$0x96E0];
	v5 =	vadd.f32 v5, v9  }
0x79: {  	v9 =	vld [tilespmem:s0+$0x96F0];
	v8 =	vadd.f32 v14, v8;
	v2 =	vadd.f32 v2, v4  }
0x7a: {  	v4 =	vadd.f32 v15, v6;
	v3 =	vadd.f32 v3, v5  }
0x7b: {  	v5 =	vadd.f32 v10, v8;
	v0 =	vadd.f32 v0, v2  }
0x7c: {  	v2 =	vadd.f32 v12, v4;
	v1 =	vadd.f32 v1, v3  }
0x7d: {  	v3 =	vadd.f32 v7, v5;
	[tilespmem:s31+$0x12C40] =	vst v0  }
0x7e: {  	v0 =	vadd.f32 v9, v2;
	[tilespmem:s31+$0x12C50] =	vst v1  }
0x7f: {  	[tilespmem:s31+$0x12C60] =	vst v3  }
0x80: {  	s9 =	simm.s32 @!p0 $0x68;
	s11 =	simm.s32 @!p0 $0x9600;
	s0 =	sadd.s32 @!p0 $0x3E8, s1;
	[tilespmem:s31+$0x12C70] =	vst v0  }
0x81: {  	[tilespmem:s11], [sflag:$0x2] =	stream.indirect.gather @!p0 [hbm4b:s3+s9], $0x40, s0, s9, $0xb8;
	[tilespmem:$0x14C00] =	vst v63  }
0x82: {  	s0 =	sadd.s32 @!p0 $0x450, s1;
	s9 =	simm.s32 @!p0 $0x60;
	s11 =	simm.s32 @!p0 $0xB000  }
0x83: {  	[tilespmem:s11], [sflag:$0x2] =	stream.indirect.gather @!p0 [hbm4b:s3+s9], $0x40, s0, s9, $0xb8;
	[tilespmem:$0x14C00] =	vst v63  }
0x84: {  	_ =	swait.ge [sflag:s24], $0x1A00  }
0x85: {  	[sflag:s24] =	ssyncset.done $0x0  }
0x86: {  	[sflag:s24] =	ssyncadd.s32 $0xFFFFE600  }
0x87: {  	_ =	swait.ge [sflag:s24], $0x1800  }
0x88: {  	[sflag:s24] =	ssyncset.done $0x0  }
0x89: {  	s0 =	simm.s32 $0x0;
	[sflag:s24] =	ssyncadd.s32 $0xFFFFE800  }
0x8a: {  	v0 =	vld [tilespmem:s0+$0xC8C0]  }
0x8b: {  	v1 =	vld [tilespmem:s0+$0xC8D0]  }
0x8c: {  	v2 =	vld [tilespmem:s0+$0xC880]  }
0x8d: {  	v3 =	vld [tilespmem:s0+$0xC890]  }
0x8e: {  	v4 =	vld [tilespmem:s0+$0xC840]  }
0x8f: {  	v5 =	vld [tilespmem:s0+$0xC850]  }
0x90: {  	v10 =	vld [tilespmem:s0+$0xC800]  }
0x91: {  	v6 =	vimm.f32 $0.0e+00;
	v12 =	vld [tilespmem:s0+$0xC810]  }
0x92: {  	v8 =	vimm.f32 $0.0e+00;
	v7 =	vimm.f32 $0.0e+00;
	v9 =	vimm.f32 $0.0e+00;
	s9 =	simm.s32 $0x400;
	v11 =	vld [tilespmem:s0+$0xC820]  }
.LBB2_7:
0x93: {  	p1 =	sne.s32 s9, $0xC400;
	v13 =	vld [tilespmem:s0+$0xC830]  }
0x94: {  	v14 =	vld [tilespmem:s0+$0xC860]  }
0x95: {  	v15 =	vld [tilespmem:s0+$0xC870]  }
0x96: {  	v16 =	vld [tilespmem:s0+$0xC8A0]  }
0x97: {  	v6 =	vadd.f32 v10, v6;
	v9 =	vadd.f32 v12, v9;
	v10 =	vld [tilespmem:s0+$0xC8B0]  }
0x98: {  	v8 =	vadd.f32 v11, v8;
	v7 =	vadd.f32 v13, v7;
	v11 =	vld [tilespmem:s0+$0xC8E0]  }
0x99: {  	v4 =	vadd.f32 v4, v6;
	v5 =	vadd.f32 v5, v9;
	v12 =	vld [tilespmem:s0+$0xC8F0];
	s0 =	sshra.s32 s9, $0x2  }
0x9a: {  	v6 =	vadd.f32 v14, v8;
	v13 =	vld [tilespmem:s0+$0xC8C0];
	v7 =	vadd.f32 v15, v7  }
0x9b: {  	v4 =	vadd.f32 v2, v4;
	v5 =	vadd.f32 v3, v5;
	v14 =	vld [tilespmem:s0+$0xC8D0]  }
0x9c: {  	v8 =	vadd.f32 v16, v6;
	v2 =	vld [tilespmem:s0+$0xC880];
	v7 =	vadd.f32 v10, v7  }
0x9d: {  	v6 =	vadd.f32 v0, v4;
	v9 =	vadd.f32 v1, v5;
	v3 =	vld [tilespmem:s0+$0xC890]  }
.Ltmp2:
0x9e: {  	v8 =	vadd.f32 v11, v8;
	v4 =	vld [tilespmem:s0+$0xC840];
	v7 =	vadd.f32 v12, v7;
	(pc) =	sbr.rel @p1 .LBB2_7-.Ltmp2, $4  }
0x9f: {  	v5 =	vld [tilespmem:s0+$0xC850];
	v0 =	vmov v13  }
0xa0: {  	v10 =	vld [tilespmem:s0+$0xC800];
	v1 =	vmov v14  }
0xa1: {  	v12 =	vld [tilespmem:s0+$0xC810]  }
0xa2: {  	s9 =	sadd.s32 $0x400, s9;
	v11 =	vld [tilespmem:s0+$0xC820]  }
0xa3: {  	v13 =	vld [tilespmem:s0+$0xC830]  }
0xa4: {  	v14 =	vld [tilespmem:s0+$0xC860]  }
0xa5: {  	v15 =	vld [tilespmem:s0+$0xC870];
	v6 =	vadd.f32 v10, v6  }
0xa6: {  	v10 =	vld [tilespmem:s0+$0xC8A0];
	v9 =	vadd.f32 v12, v9  }
0xa7: {  	v12 =	vld [tilespmem:s0+$0xC8B0];
	v8 =	vadd.f32 v11, v8;
	v4 =	vadd.f32 v4, v6  }
0xa8: {  	v6 =	vadd.f32 v13, v7;
	v7 =	vld [tilespmem:s0+$0xC8E0];
	v5 =	vadd.f32 v5, v9  }
0xa9: {  	v9 =	vld [tilespmem:s0+$0xC8F0];
	v8 =	vadd.f32 v14, v8;
	v2 =	vadd.f32 v2, v4  }
0xaa: {  	v4 =	vadd.f32 v15, v6;
	v3 =	vadd.f32 v3, v5  }
0xab: {  	v5 =	vadd.f32 v10, v8;
	v0 =	vadd.f32 v0, v2  }
0xac: {  	v2 =	vadd.f32 v12, v4;
	v1 =	vadd.f32 v1, v3  }
0xad: {  	v3 =	vadd.f32 v7, v5;
	[tilespmem:s31+$0x12C80] =	vst v0  }
0xae: {  	v0 =	vadd.f32 v9, v2;
	[tilespmem:s31+$0x12C90] =	vst v1  }
0xaf: {  	[tilespmem:s31+$0x12CA0] =	vst v3  }
0xb0: {  	s9 =	simm.s32 @!p0 $0x68;
	s11 =	simm.s32 @!p0 $0xC800;
	s0 =	sadd.s32 @!p0 $0x4B0, s1;
	[tilespmem:s31+$0x12CB0] =	vst v0  }
0xb1: {  	[tilespmem:s11], [sflag:$0x3] =	stream.indirect.gather @!p0 [hbm4b:s3+s9], $0x40, s0, s9, $0xb8;
	[tilespmem:$0x14C00] =	vst v63  }
0xb2: {  	s0 =	sadd.s32 @!p0 $0x518, s1;
	s1 =	simm.s32 @!p0 $0x60;
	s9 =	simm.s32 @!p0 $0xE200  }
0xb3: {  	[tilespmem:s9], [sflag:$0x3] =	stream.indirect.gather @!p0 [hbm4b:s3+s1], $0x40, s0, s1, $0xb8;
	[tilespmem:$0x14C00] =	vst v63  }
0xb4: {  	_ =	swait.ge [sflag:s25], $0x1A00  }
0xb5: {  	[sflag:s25] =	ssyncset.done $0x0  }
0xb6: {  	[sflag:s25] =	ssyncadd.s32 $0xFFFFE600  }
0xb7: {  	_ =	swait.ge [sflag:s25], $0x1800  }
0xb8: {  	[sflag:s25] =	ssyncset.done $0x0  }
0xb9: {  	s0 =	simm.s32 $0x0;
	[sflag:s25] =	ssyncadd.s32 $0xFFFFE800  }
0xba: {  	v0 =	vld [tilespmem:s0+$0xFAC0]  }
0xbb: {  	v1 =	vld [tilespmem:s0+$0xFAD0]  }
0xbc: {  	v2 =	vld [tilespmem:s0+$0xFA80]  }
0xbd: {  	v3 =	vld [tilespmem:s0+$0xFA90]  }
0xbe: {  	v4 =	vld [tilespmem:s0+$0xFA40]  }
0xbf: {  	v5 =	vld [tilespmem:s0+$0xFA50]  }
0xc0: {  	v10 =	vld [tilespmem:s0+$0xFA00]  }
0xc1: {  	v6 =	vimm.f32 $0.0e+00;
	v12 =	vld [tilespmem:s0+$0xFA10]  }
0xc2: {  	v8 =	vimm.f32 $0.0e+00;
	v7 =	vimm.f32 $0.0e+00;
	v9 =	vimm.f32 $0.0e+00;
	s1 =	simm.s32 $0x400;
	v11 =	vld [tilespmem:s0+$0xFA20]  }
.LBB2_9:
0xc3: {  	p0 =	sne.s32 s1, $0xC400;
	v13 =	vld [tilespmem:s0+$0xFA30]  }
0xc4: {  	v14 =	vld [tilespmem:s0+$0xFA60]  }
0xc5: {  	v15 =	vld [tilespmem:s0+$0xFA70]  }
0xc6: {  	v16 =	vld [tilespmem:s0+$0xFAA0]  }
0xc7: {  	v6 =	vadd.f32 v10, v6;
	v9 =	vadd.f32 v12, v9;
	v10 =	vld [tilespmem:s0+$0xFAB0]  }
0xc8: {  	v8 =	vadd.f32 v11, v8;
	v7 =	vadd.f32 v13, v7;
	v11 =	vld [tilespmem:s0+$0xFAE0]  }
0xc9: {  	v4 =	vadd.f32 v4, v6;
	v5 =	vadd.f32 v5, v9;
	v12 =	vld [tilespmem:s0+$0xFAF0];
	s0 =	sshra.s32 s1, $0x2  }
0xca: {  	v6 =	vadd.f32 v14, v8;
	v13 =	vld [tilespmem:s0+$0xFAC0];
	v7 =	vadd.f32 v15, v7  }
0xcb: {  	v4 =	vadd.f32 v2, v4;
	v5 =	vadd.f32 v3, v5;
	v14 =	vld [tilespmem:s0+$0xFAD0]  }
0xcc: {  	v8 =	vadd.f32 v16, v6;
	v2 =	vld [tilespmem:s0+$0xFA80];
	v7 =	vadd.f32 v10, v7  }
0xcd: {  	v6 =	vadd.f32 v0, v4;
	v9 =	vadd.f32 v1, v5;
	v3 =	vld [tilespmem:s0+$0xFA90]  }
.Ltmp3:
0xce: {  	v8 =	vadd.f32 v11, v8;
	v4 =	vld [tilespmem:s0+$0xFA40];
	v7 =	vadd.f32 v12, v7;
	(pc) =	sbr.rel @p0 .LBB2_9-.Ltmp3, $4  }
0xcf: {  	v5 =	vld [tilespmem:s0+$0xFA50];
	v0 =	vmov v13  }
0xd0: {  	v10 =	vld [tilespmem:s0+$0xFA00];
	v1 =	vmov v14  }
0xd1: {  	v12 =	vld [tilespmem:s0+$0xFA10]  }
0xd2: {  	s1 =	sadd.s32 $0x400, s1;
	v11 =	vld [tilespmem:s0+$0xFA20]  }
0xd3: {  	v13 =	vld [tilespmem:s0+$0xFA30]  }
0xd4: {  	v14 =	vld [tilespmem:s0+$0xFA60]  }
0xd5: {  	v15 =	vld [tilespmem:s0+$0xFA70];
	v6 =	vadd.f32 v10, v6  }
0xd6: {  	v54 =	vld [tilespmem:s0+$0xFAA0];
	v9 =	vadd.f32 v12, v9  }
0xd7: {  	v55 =	vld [tilespmem:s0+$0xFAB0];
	v8 =	vadd.f32 v11, v8;
	v4 =	vadd.f32 v4, v6  }
0xd8: {  	v57 =	vld [tilespmem:s0+$0xFAE0];
	v56 =	vadd.f32 v13, v7;
	v5 =	vadd.f32 v5, v9  }
0xd9: {  	v58 =	vld [tilespmem:s0+$0xFAF0];
	v8 =	vadd.f32 v14, v8;
	v2 =	vadd.f32 v2, v4  }
0xda: {  	s29 =	sadd.s32 $0x1, s29;
	v59 =	vadd.f32 v15, v56;
	v3 =	vadd.f32 v3, v5  }
0xdb: {  	s31 =	sshll.u32 s30, $0x6;
	p0 =	sne.s32 s29, $0x20;
	v60 =	vadd.f32 v54, v8;
	v0 =	vadd.f32 v0, v2  }
.Ltmp4:
0xdc: {  	s0 =	sand.u32 $0x3FFFFFC0, s31;
	v61 =	vadd.f32 v55, v59;
	v1 =	vadd.f32 v1, v3;
	(pc) =	sbr.rel @p0 .LBB2_2-.Ltmp4, $4  }
0xdd: {  	v62 =	vadd.f32 v57, v60;
	[tilespmem:s0+$0x12C00] =	vst v0  }
0xde: {  	v63 =	vadd.f32 v58, v61;
	[tilespmem:s0+$0x12C10] =	vst v1  }
0xdf: {  	[tilespmem:s0+$0x12C20] =	vst v62  }
0xe0: {  	[tilespmem:s0+$0x12C30] =	vst v63  }
0xe1: {  	s28 =	sadd.s32 $0x1, s28  }
0xe2: {  	p0 =	sne.s32 s28, s6  }
.Ltmp5:
0xe3: {  	_ = 	snop;
	(pc) =	sbr.rel @p0 .LBB2_1-.Ltmp5, $4  }
0xe4: {  	[hbm4b:s5+s2] =	stream.linear.scatter [tilespmem:s26], [sflag:$0x5], $0x2000, $0x38;
	[tilespmem:$0x14C00] =	vst v63  }
0xe5: {  	_ =	swait.ge [sflag:s7], $0x2000  }
0xe6: {  	[sflag:s7] =	ssyncset.done $0x0  }
0xe7: {  	[sflag:s7] =	ssyncadd.s32 $0xFFFFE000  }
0xe8: {  	_ =	sfence.sel $0x180000  }
0xe9: {  	[bflag:$0x0] =	sbarrier.arrive $0xFFFF  }
0xea: {  	_ =	strace $0x90000047  }
0xeb: {  	s0 =	stileid.u32;
	[bflag:$0x2] =	sbarrier.arrive $0xFFFF  }
0xec: {  	p0 =	sne.s32 s0, $0x0;
	s0 =	rddreg [dreg:$0x2]  }
0xed: {  	s0 =	sadd.s32 @!p0 $0x100000, s0  }
0xee: {  	[sflag:s0] =	ssyncadd.tile.s32 @!p0 $0x1;
	_ =	shalt  }
.Lfunc_end2:
_tile_overlayer_lowered:
.L_overlay_start_2:
0xef: {  	(tag) =	ssettag $0x2  }
0xf0: {  	s0 =	rddreg [dreg:$0x0];
	s2 =	stileid.u32  }
0xf1: {  	s1 =	rddreg [dreg:$0x1];
	p0 =	sne.s32 s2, $0x0  }
0xf2: {  	s3 =	rddreg [dreg:$0x2];
	[bflag:$0x3] =	sbarrier.arrive $0xFFFF;
	s2 =	simm.s32 @!p0 $0x1C05  }
0xf3: {  	[timem:s3], [sflag:s2] =	dma.local @!p0 [hbm:s0], s1  }
0xf4: {  	s0 =	simm.s32 @!p0 $0x5  }
0xf5: {  	_ =	swait.ge @!p0 [sflag:s0], s1  }
0xf6: {  	s1 =	ssub.s32 @!p0 $0x0, s1;
	[sflag:s0] =	ssyncset.done @!p0 $0x0  }
0xf7: {  	[sflag:s0] =	ssyncadd.s32 @!p0 s1  }
0xf8: {  	[bflag:$0x3] =	sbarrier.arrive $0xFFFF  }
0xf9: {  	_ =	shalt  }

</sc_bundles>
